<compile_context>
chip_gen: v7x
topology: tpu7x:2x2x1
jax: 0.10.2.dev20260603
libtpu: 0.0.44.dev20260713+nightly
codegen_flags: <defaults>
</compile_context>

<pallas_src>
import functools

import jax
import jax.numpy as jnp
from jax import lax
from jax.experimental import pallas as pl
from jax.experimental.pallas import tpu as pltpu
from jax.experimental.pallas import tpu_sc as plsc

_B = 4
_S = 4096
_D = 1024
_N_TOK = _B * _S

_NC = 2
_NS = 16
_NW = _NC * _NS
_ROWS_PER_W = _N_TOK // _NW
_CHUNK = 16
_NBUF = 4
_NCHUNK = _ROWS_PER_W // _CHUNK
_NGROUP = _NCHUNK // _NBUF


def _sc_gather_body(ids_hbm, table_hbm, out_hbm,
                    idx_v, b0, b1, b2, b3, g0, g1, g2, g3, o0, o1, o2, o3):
    wid = lax.axis_index("s") * _NC + lax.axis_index("c")
    base = wid * _ROWS_PER_W

    pltpu.sync_copy(ids_hbm.at[pl.ds(base, _ROWS_PER_W)], idx_v)

    bufs = (b0, b1, b2, b3)
    gsem = (g0, g1, g2, g3)
    osem = (o0, o1, o2, o3)

    def gather_chunk(g, b):
        idx = idx_v.at[pl.ds(g * _CHUNK, _CHUNK)]
        return pltpu.async_copy(table_hbm.at[idx], bufs[b], gsem[b])

    def out_slice(g):
        return out_hbm.at[pl.ds(base + g * _CHUNK, _CHUNK)]

    for b in range(_NBUF):
        gather_chunk(b, b)

    def turn(t, _):
        for b in range(_NBUF):
            g = t * _NBUF + b
            pltpu.make_async_copy(table_hbm.at[idx_v.at[pl.ds(g * _CHUNK, _CHUNK)]],
                                  bufs[b], gsem[b]).wait()
            pltpu.async_copy(bufs[b], out_slice(g), osem[b])
            pltpu.make_async_copy(bufs[b], out_slice(g), osem[b]).wait()
            gather_chunk(g + _NBUF, b)
        return _

    lax.fori_loop(0, _NGROUP - 1, turn, None)

    for b in range(_NBUF):
        g = (_NGROUP - 1) * _NBUF + b
        pltpu.make_async_copy(table_hbm.at[idx_v.at[pl.ds(g * _CHUNK, _CHUNK)]],
                              bufs[b], gsem[b]).wait()
        pltpu.async_copy(bufs[b], out_slice(g), osem[b])
    for b in range(_NBUF):
        g = (_NGROUP - 1) * _NBUF + b
        pltpu.make_async_copy(bufs[b], out_slice(g), osem[b]).wait()


_sc_gather = functools.partial(
    pl.kernel,
    out_type=jax.ShapeDtypeStruct((_N_TOK, _D), jnp.float32),
    mesh=plsc.VectorSubcoreMesh(core_axis_name="c", subcore_axis_name="s"),
    scratch_types=[
        pltpu.VMEM((_ROWS_PER_W,), jnp.int32),
        pltpu.VMEM((_CHUNK, _D), jnp.float32),
        pltpu.VMEM((_CHUNK, _D), jnp.float32),
        pltpu.VMEM((_CHUNK, _D), jnp.float32),
        pltpu.VMEM((_CHUNK, _D), jnp.float32),
        pltpu.SemaphoreType.DMA,
        pltpu.SemaphoreType.DMA,
        pltpu.SemaphoreType.DMA,
        pltpu.SemaphoreType.DMA,
        pltpu.SemaphoreType.DMA,
        pltpu.SemaphoreType.DMA,
        pltpu.SemaphoreType.DMA,
        pltpu.SemaphoreType.DMA,
    ],
)(_sc_gather_body)


def _attn_body(ids_ref, out_ref):
    out_ref[...] = (ids_ref[...] != 0).astype(jnp.float32)


def _attn_mask(ids):
    mask = pl.pallas_call(
        _attn_body,
        out_shape=jax.ShapeDtypeStruct((_B, _S), jnp.float32),
    )(ids)
    return mask.astype(jnp.float16)


@jax.jit
def kernel(inputs, table):
    ids = inputs
    flat_ids = ids.reshape(_N_TOK)
    hidden = _sc_gather(flat_ids, table).reshape(_B, _S, _D)
    attn = _attn_mask(ids)
    labels = jnp.zeros((0,), dtype=jnp.float32)
    return (hidden, attn, labels)

# --- scband reference (transcript-rebuilt; emitter-appended) ---
"""Pipeline reference for scband-embedding-pipe-7473243095706 (READ-ONLY COPY).

The authoritative reference and input builder live on the scoring server;
editing this copy changes nothing except your own understanding.
"""

import jax, jax.numpy as jnp
import numpy as np

NUM_EMBEDDINGS = 100000
EMBED_DIM = 1024
PAD_IDX = 0
B = 4
S = 4096


def setup_inputs(seed: int = 0) -> dict:
    key = jax.random.key(seed)
    k_ids, k_tab = jax.random.split(key)
    ids = jax.random.randint(k_ids, (B, S), 0, NUM_EMBEDDINGS, dtype=jnp.int32)
    table = jax.random.normal(k_tab, (NUM_EMBEDDINGS, EMBED_DIM), dtype=jnp.float32) * 0.02
    # emulate nn.Embedding(padding_idx=0): padding row is zero
    table = table.at[PAD_IDX].set(0.0)
    return {"inputs": ids, "table": table}


def reference(inputs, table):
    ids = inputs
    # normalise_batch: plain tensor -> ids, attn=None, labels=None
    # attn = (ids != padding_idx).long() then cast to float16
    attn = (ids != PAD_IDX).astype(jnp.float16)
    # labels = empty(0, dtype=long) then .to(float32)
    labels = jnp.zeros((0,), dtype=jnp.float32)
    # hidden = embed_tokens(ids); padding row stays zero
    table_eff = table.at[PAD_IDX].set(0.0)
    hidden = jnp.take(table_eff, ids, axis=0)
    return (hidden, attn, labels)

if __name__ == "__main__":
    import jax
    _d = setup_inputs()
    print(jax.jit(kernel)(*tuple(_d.values())))

</pallas_src>

<mosaic_0001>
#map = affine_map<(d0, d1) -> (0)>
#map1 = affine_map<(d0, d1) -> (0, 0)>
module attributes {stable_mosaic.version = 14 : i64} {
  func.func @_sc_gather_body(%arg0: i32, %arg1: i32, %arg2: memref<16384xi32, #tpu.memory_space<hbm>>, %arg3: memref<100000x1024xf32, #tpu.memory_space<hbm>>, %arg4: memref<16384x1024xf32, #tpu.memory_space<hbm>>, %arg5: memref<512xi32, #tpu.memory_space<vmem>>, %arg6: memref<16x1024xf32, #tpu.memory_space<vmem>>, %arg7: memref<16x1024xf32, #tpu.memory_space<vmem>>, %arg8: memref<16x1024xf32, #tpu.memory_space<vmem>>, %arg9: memref<16x1024xf32, #tpu.memory_space<vmem>>, %arg10: memref<!tpu.dma_semaphore, #tpu.memory_space<semaphore_mem>>, %arg11: memref<!tpu.dma_semaphore, #tpu.memory_space<semaphore_mem>>, %arg12: memref<!tpu.dma_semaphore, #tpu.memory_space<semaphore_mem>>, %arg13: memref<!tpu.dma_semaphore, #tpu.memory_space<semaphore_mem>>, %arg14: memref<!tpu.dma_semaphore, #tpu.memory_space<semaphore_mem>>, %arg15: memref<!tpu.dma_semaphore, #tpu.memory_space<semaphore_mem>>, %arg16: memref<!tpu.dma_semaphore, #tpu.memory_space<semaphore_mem>>, %arg17: memref<!tpu.dma_semaphore, #tpu.memory_space<semaphore_mem>>) attributes {dimension_semantics = [#tpu.dimension_semantics<core_parallel>, #tpu.dimension_semantics<subcore_parallel>], iteration_bounds = array<i64: 2, 16>, scalar_prefetch = 0 : i64, scratch_operands = 13 : i64, tpu.core_type = #tpu.core_type<sc_vector_subcore>, window_params = [{transform_indices = #map}, {transform_indices = #map1}, {transform_indices = #map1}]} {
    %mul3A = arith.constant 2 : i32
    %mul3A_0 = arith.muli %arg1, %mul3A : i32
    %add3A = arith.addi %mul3A_0, %arg0 : i32
    %mul3A_1 = arith.constant 512 : i32
    %mul3A_2 = arith.muli %add3A, %mul3A_1 : i32
    "tpu.region"() ({
      %run_scoped3A = tpu.sem_alloc : memref<!tpu.dma_semaphore, #tpu.memory_space<semaphore_mem>>
      %dma_start3A_93 = tpu.memref_slice %arg2[%mul3A_2] : memref<16384xi32, #tpu.memory_space<hbm>> -> memref<512xi32, #tpu.memory_space<hbm>>
      %dma_start3A_94 = tpu.memref_slice %arg2[%mul3A_2] : memref<16384xi32, #tpu.memory_space<hbm>> -> memref<512xi32, #tpu.memory_space<hbm>>
      tpu.enqueue_dma source(%dma_start3A_94 : memref<512xi32, #tpu.memory_space<hbm>>) target(%arg5 : memref<512xi32, #tpu.memory_space<vmem>>) target_semaphore(%run_scoped3A : memref<!tpu.dma_semaphore, #tpu.memory_space<semaphore_mem>>)
      %dma_wait3A_95 = tpu.memref_slice %arg2[%mul3A_2] : memref<16384xi32, #tpu.memory_space<hbm>> -> memref<512xi32, #tpu.memory_space<hbm>>
      %dma_wait3A_96 = tpu.memref_slice %arg2[%mul3A_2] : memref<16384xi32, #tpu.memory_space<hbm>> -> memref<512xi32, #tpu.memory_space<hbm>>
      tpu.wait_dma2 semaphore(%run_scoped3A : memref<!tpu.dma_semaphore, #tpu.memory_space<semaphore_mem>>) src(%dma_wait3A_96 : memref<512xi32, #tpu.memory_space<hbm>>) dst(%arg5 : memref<512xi32, #tpu.memory_space<vmem>>)
      tpu.yield
    }) : () -> ()
    %dma_start3A = arith.constant 0 : i32
    %dma_start3A_3 = tpu.memref_slice %arg5[%dma_start3A] : memref<512xi32, #tpu.memory_space<vmem>> -> memref<16xi32, #tpu.memory_space<vmem>>
    %dma_start3A_4 = arith.constant 0 : i32
    %dma_start3A_5 = arith.constant 0 : i32
    %dma_start3A_6 = tpu.memref_slice %arg3[%dma_start3A_4, %dma_start3A_5] : memref<100000x1024xf32, #tpu.memory_space<hbm>> -> memref<100000x1024xf32, #tpu.memory_space<hbm>>
    tpu.enqueue_indirect_dma source(%dma_start3A_6 : memref<100000x1024xf32, #tpu.memory_space<hbm>>) target(%arg6 : memref<16x1024xf32, #tpu.memory_space<vmem>>) offsets(%dma_start3A_3 : memref<16xi32, #tpu.memory_space<vmem>>) semaphore(%arg10 : memref<!tpu.dma_semaphore, #tpu.memory_space<semaphore_mem>>)
    %dma_start3A_7 = arith.constant 16 : i32
    %dma_start3A_8 = tpu.memref_slice %arg5[%dma_start3A_7] : memref<512xi32, #tpu.memory_space<vmem>> -> memref<16xi32, #tpu.memory_space<vmem>>
    %dma_start3A_9 = arith.constant 0 : i32
    %dma_start3A_10 = arith.constant 0 : i32
    %dma_start3A_11 = tpu.memref_slice %arg3[%dma_start3A_9, %dma_start3A_10] : memref<100000x1024xf32, #tpu.memory_space<hbm>> -> memref<100000x1024xf32, #tpu.memory_space<hbm>>
    tpu.enqueue_indirect_dma source(%dma_start3A_11 : memref<100000x1024xf32, #tpu.memory_space<hbm>>) target(%arg7 : memref<16x1024xf32, #tpu.memory_space<vmem>>) offsets(%dma_start3A_8 : memref<16xi32, #tpu.memory_space<vmem>>) semaphore(%arg11 : memref<!tpu.dma_semaphore, #tpu.memory_space<semaphore_mem>>)
    %dma_start3A_12 = arith.constant 32 : i32
    %dma_start3A_13 = tpu.memref_slice %arg5[%dma_start3A_12] : memref<512xi32, #tpu.memory_space<vmem>> -> memref<16xi32, #tpu.memory_space<vmem>>
    %dma_start3A_14 = arith.constant 0 : i32
    %dma_start3A_15 = arith.constant 0 : i32
    %dma_start3A_16 = tpu.memref_slice %arg3[%dma_start3A_14, %dma_start3A_15] : memref<100000x1024xf32, #tpu.memory_space<hbm>> -> memref<100000x1024xf32, #tpu.memory_space<hbm>>
    tpu.enqueue_indirect_dma source(%dma_start3A_16 : memref<100000x1024xf32, #tpu.memory_space<hbm>>) target(%arg8 : memref<16x1024xf32, #tpu.memory_space<vmem>>) offsets(%dma_start3A_13 : memref<16xi32, #tpu.memory_space<vmem>>) semaphore(%arg12 : memref<!tpu.dma_semaphore, #tpu.memory_space<semaphore_mem>>)
    %dma_start3A_17 = arith.constant 48 : i32
    %dma_start3A_18 = tpu.memref_slice %arg5[%dma_start3A_17] : memref<512xi32, #tpu.memory_space<vmem>> -> memref<16xi32, #tpu.memory_space<vmem>>
    %dma_start3A_19 = arith.constant 0 : i32
    %dma_start3A_20 = arith.constant 0 : i32
    %dma_start3A_21 = tpu.memref_slice %arg3[%dma_start3A_19, %dma_start3A_20] : memref<100000x1024xf32, #tpu.memory_space<hbm>> -> memref<100000x1024xf32, #tpu.memory_space<hbm>>
    tpu.enqueue_indirect_dma source(%dma_start3A_21 : memref<100000x1024xf32, #tpu.memory_space<hbm>>) target(%arg9 : memref<16x1024xf32, #tpu.memory_space<vmem>>) offsets(%dma_start3A_18 : memref<16xi32, #tpu.memory_space<vmem>>) semaphore(%arg13 : memref<!tpu.dma_semaphore, #tpu.memory_space<semaphore_mem>>)
    %scan3A = arith.constant 0 : i32
    %scan3A_22 = arith.constant 7 : i32
    %scan3A_23 = arith.addi %scan3A, %scan3A_22 : i32
    %scan3A_24 = arith.constant 1 : i32
    scf.for %scan3A_93 = %scan3A to %scan3A_23 step %scan3A_24  : i32 {
      %mul3A_94 = arith.constant 4 : i32
      %mul3A_95 = arith.muli %scan3A_93, %mul3A_94 : i32
      %add3A_96 = arith.constant 0 : i32
      %add3A_97 = arith.addi %mul3A_95, %add3A_96 : i32
      %mul3A_98 = arith.constant 16 : i32
      %mul3A_99 = arith.muli %add3A_97, %mul3A_98 : i32
      %dma_wait3A_100 = tpu.memref_slice %arg5[%mul3A_99] : memref<512xi32, #tpu.memory_space<vmem>> -> memref<16xi32, #tpu.memory_space<vmem>>
      %dma_wait3A_101 = arith.constant 0 : i32
      %dma_wait3A_102 = arith.constant 0 : i32
      %dma_wait3A_103 = tpu.memref_slice %arg3[%dma_wait3A_101, %dma_wait3A_102] : memref<100000x1024xf32, #tpu.memory_space<hbm>> -> memref<100000x1024xf32, #tpu.memory_space<hbm>>
      tpu.wait_indirect_dma semaphore(%arg10 : memref<!tpu.dma_semaphore, #tpu.memory_space<semaphore_mem>>) src(%dma_wait3A_103 : memref<100000x1024xf32, #tpu.memory_space<hbm>>) dst(%arg6 : memref<16x1024xf32, #tpu.memory_space<vmem>>)
      %mul3A_104 = arith.constant 16 : i32
      %mul3A_105 = arith.muli %add3A_97, %mul3A_104 : i32
      %add3A_106 = arith.addi %mul3A_2, %mul3A_105 : i32
      %dma_start3A_107 = arith.constant 0 : i32
      %dma_start3A_108 = tpu.memref_slice %arg4[%add3A_106, %dma_start3A_107] : memref<16384x1024xf32, #tpu.memory_space<hbm>> -> memref<16x1024xf32, #tpu.memory_space<hbm>>
      %dma_start3A_109 = arith.constant 0 : i32
      %dma_start3A_110 = tpu.memref_slice %arg4[%add3A_106, %dma_start3A_109] : memref<16384x1024xf32, #tpu.memory_space<hbm>> -> memref<16x1024xf32, #tpu.memory_space<hbm>>
      tpu.enqueue_dma source(%arg6 : memref<16x1024xf32, #tpu.memory_space<vmem>>) target(%dma_start3A_110 : memref<16x1024xf32, #tpu.memory_space<hbm>>) target_semaphore(%arg14 : memref<!tpu.dma_semaphore, #tpu.memory_space<semaphore_mem>>)
      %mul3A_111 = arith.constant 16 : i32
      %mul3A_112 = arith.muli %add3A_97, %mul3A_111 : i32
      %add3A_113 = arith.addi %mul3A_2, %mul3A_112 : i32
      %dma_wait3A_114 = arith.constant 0 : i32
      %dma_wait3A_115 = tpu.memref_slice %arg4[%add3A_113, %dma_wait3A_114] : memref<16384x1024xf32, #tpu.memory_space<hbm>> -> memref<16x1024xf32, #tpu.memory_space<hbm>>
      %dma_wait3A_116 = arith.constant 0 : i32
      %dma_wait3A_117 = tpu.memref_slice %arg4[%add3A_113, %dma_wait3A_116] : memref<16384x1024xf32, #tpu.memory_space<hbm>> -> memref<16x1024xf32, #tpu.memory_space<hbm>>
      tpu.wait_dma2 semaphore(%arg14 : memref<!tpu.dma_semaphore, #tpu.memory_space<semaphore_mem>>) src(%arg6 : memref<16x1024xf32, #tpu.memory_space<vmem>>) dst(%dma_wait3A_117 : memref<16x1024xf32, #tpu.memory_space<hbm>>)
      %add3A_118 = arith.constant 4 : i32
      %add3A_119 = arith.addi %add3A_97, %add3A_118 : i32
      %mul3A_120 = arith.constant 16 : i32
      %mul3A_121 = arith.muli %add3A_119, %mul3A_120 : i32
      %dma_start3A_122 = tpu.memref_slice %arg5[%mul3A_121] : memref<512xi32, #tpu.memory_space<vmem>> -> memref<16xi32, #tpu.memory_space<vmem>>
      %dma_start3A_123 = arith.constant 0 : i32
      %dma_start3A_124 = arith.constant 0 : i32
      %dma_start3A_125 = tpu.memref_slice %arg3[%dma_start3A_123, %dma_start3A_124] : memref<100000x1024xf32, #tpu.memory_space<hbm>> -> memref<100000x1024xf32, #tpu.memory_space<hbm>>
      tpu.enqueue_indirect_dma source(%dma_start3A_125 : memref<100000x1024xf32, #tpu.memory_space<hbm>>) target(%arg6 : memref<16x1024xf32, #tpu.memory_space<vmem>>) offsets(%dma_start3A_122 : memref<16xi32, #tpu.memory_space<vmem>>) semaphore(%arg10 : memref<!tpu.dma_semaphore, #tpu.memory_space<semaphore_mem>>)
      %mul3A_126 = arith.constant 4 : i32
      %mul3A_127 = arith.muli %scan3A_93, %mul3A_126 : i32
      %add3A_128 = arith.constant 1 : i32
      %add3A_129 = arith.addi %mul3A_127, %add3A_128 : i32
      %mul3A_130 = arith.constant 16 : i32
      %mul3A_131 = arith.muli %add3A_129, %mul3A_130 : i32
      %dma_wait3A_132 = tpu.memref_slice %arg5[%mul3A_131] : memref<512xi32, #tpu.memory_space<vmem>> -> memref<16xi32, #tpu.memory_space<vmem>>
      %dma_wait3A_133 = arith.constant 0 : i32
      %dma_wait3A_134 = arith.constant 0 : i32
      %dma_wait3A_135 = tpu.memref_slice %arg3[%dma_wait3A_133, %dma_wait3A_134] : memref<100000x1024xf32, #tpu.memory_space<hbm>> -> memref<100000x1024xf32, #tpu.memory_space<hbm>>
      tpu.wait_indirect_dma semaphore(%arg11 : memref<!tpu.dma_semaphore, #tpu.memory_space<semaphore_mem>>) src(%dma_wait3A_135 : memref<100000x1024xf32, #tpu.memory_space<hbm>>) dst(%arg7 : memref<16x1024xf32, #tpu.memory_space<vmem>>)
      %mul3A_136 = arith.constant 16 : i32
      %mul3A_137 = arith.muli %add3A_129, %mul3A_136 : i32
      %add3A_138 = arith.addi %mul3A_2, %mul3A_137 : i32
      %dma_start3A_139 = arith.constant 0 : i32
      %dma_start3A_140 = tpu.memref_slice %arg4[%add3A_138, %dma_start3A_139] : memref<16384x1024xf32, #tpu.memory_space<hbm>> -> memref<16x1024xf32, #tpu.memory_space<hbm>>
      %dma_start3A_141 = arith.constant 0 : i32
      %dma_start3A_142 = tpu.memref_slice %arg4[%add3A_138, %dma_start3A_141] : memref<16384x1024xf32, #tpu.memory_space<hbm>> -> memref<16x1024xf32, #tpu.memory_space<hbm>>
      tpu.enqueue_dma source(%arg7 : memref<16x1024xf32, #tpu.memory_space<vmem>>) target(%dma_start3A_142 : memref<16x1024xf32, #tpu.memory_space<hbm>>) target_semaphore(%arg15 : memref<!tpu.dma_semaphore, #tpu.memory_space<semaphore_mem>>)
      %mul3A_143 = arith.constant 16 : i32
      %mul3A_144 = arith.muli %add3A_129, %mul3A_143 : i32
      %add3A_145 = arith.addi %mul3A_2, %mul3A_144 : i32
      %dma_wait3A_146 = arith.constant 0 : i32
      %dma_wait3A_147 = tpu.memref_slice %arg4[%add3A_145, %dma_wait3A_146] : memref<16384x1024xf32, #tpu.memory_space<hbm>> -> memref<16x1024xf32, #tpu.memory_space<hbm>>
      %dma_wait3A_148 = arith.constant 0 : i32
      %dma_wait3A_149 = tpu.memref_slice %arg4[%add3A_145, %dma_wait3A_148] : memref<16384x1024xf32, #tpu.memory_space<hbm>> -> memref<16x1024xf32, #tpu.memory_space<hbm>>
      tpu.wait_dma2 semaphore(%arg15 : memref<!tpu.dma_semaphore, #tpu.memory_space<semaphore_mem>>) src(%arg7 : memref<16x1024xf32, #tpu.memory_space<vmem>>) dst(%dma_wait3A_149 : memref<16x1024xf32, #tpu.memory_space<hbm>>)
      %add3A_150 = arith.constant 4 : i32
      %add3A_151 = arith.addi %add3A_129, %add3A_150 : i32
      %mul3A_152 = arith.constant 16 : i32
      %mul3A_153 = arith.muli %add3A_151, %mul3A_152 : i32
      %dma_start3A_154 = tpu.memref_slice %arg5[%mul3A_153] : memref<512xi32, #tpu.memory_space<vmem>> -> memref<16xi32, #tpu.memory_space<vmem>>
      %dma_start3A_155 = arith.constant 0 : i32
      %dma_start3A_156 = arith.constant 0 : i32
      %dma_start3A_157 = tpu.memref_slice %arg3[%dma_start3A_155, %dma_start3A_156] : memref<100000x1024xf32, #tpu.memory_space<hbm>> -> memref<100000x1024xf32, #tpu.memory_space<hbm>>
      tpu.enqueue_indirect_dma source(%dma_start3A_157 : memref<100000x1024xf32, #tpu.memory_space<hbm>>) target(%arg7 : memref<16x1024xf32, #tpu.memory_space<vmem>>) offsets(%dma_start3A_154 : memref<16xi32, #tpu.memory_space<vmem>>) semaphore(%arg11 : memref<!tpu.dma_semaphore, #tpu.memory_space<semaphore_mem>>)
      %mul3A_158 = arith.constant 4 : i32
      %mul3A_159 = arith.muli %scan3A_93, %mul3A_158 : i32
      %add3A_160 = arith.constant 2 : i32
      %add3A_161 = arith.addi %mul3A_159, %add3A_160 : i32
      %mul3A_162 = arith.constant 16 : i32
      %mul3A_163 = arith.muli %add3A_161, %mul3A_162 : i32
      %dma_wait3A_164 = tpu.memref_slice %arg5[%mul3A_163] : memref<512xi32, #tpu.memory_space<vmem>> -> memref<16xi32, #tpu.memory_space<vmem>>
      %dma_wait3A_165 = arith.constant 0 : i32
      %dma_wait3A_166 = arith.constant 0 : i32
      %dma_wait3A_167 = tpu.memref_slice %arg3[%dma_wait3A_165, %dma_wait3A_166] : memref<100000x1024xf32, #tpu.memory_space<hbm>> -> memref<100000x1024xf32, #tpu.memory_space<hbm>>
      tpu.wait_indirect_dma semaphore(%arg12 : memref<!tpu.dma_semaphore, #tpu.memory_space<semaphore_mem>>) src(%dma_wait3A_167 : memref<100000x1024xf32, #tpu.memory_space<hbm>>) dst(%arg8 : memref<16x1024xf32, #tpu.memory_space<vmem>>)
      %mul3A_168 = arith.constant 16 : i32
      %mul3A_169 = arith.muli %add3A_161, %mul3A_168 : i32
      %add3A_170 = arith.addi %mul3A_2, %mul3A_169 : i32
      %dma_start3A_171 = arith.constant 0 : i32
      %dma_start3A_172 = tpu.memref_slice %arg4[%add3A_170, %dma_start3A_171] : memref<16384x1024xf32, #tpu.memory_space<hbm>> -> memref<16x1024xf32, #tpu.memory_space<hbm>>
      %dma_start3A_173 = arith.constant 0 : i32
      %dma_start3A_174 = tpu.memref_slice %arg4[%add3A_170, %dma_start3A_173] : memref<16384x1024xf32, #tpu.memory_space<hbm>> -> memref<16x1024xf32, #tpu.memory_space<hbm>>
      tpu.enqueue_dma source(%arg8 : memref<16x1024xf32, #tpu.memory_space<vmem>>) target(%dma_start3A_174 : memref<16x1024xf32, #tpu.memory_space<hbm>>) target_semaphore(%arg16 : memref<!tpu.dma_semaphore, #tpu.memory_space<semaphore_mem>>)
      %mul3A_175 = arith.constant 16 : i32
      %mul3A_176 = arith.muli %add3A_161, %mul3A_175 : i32
      %add3A_177 = arith.addi %mul3A_2, %mul3A_176 : i32
      %dma_wait3A_178 = arith.constant 0 : i32
      %dma_wait3A_179 = tpu.memref_slice %arg4[%add3A_177, %dma_wait3A_178] : memref<16384x1024xf32, #tpu.memory_space<hbm>> -> memref<16x1024xf32, #tpu.memory_space<hbm>>
      %dma_wait3A_180 = arith.constant 0 : i32
      %dma_wait3A_181 = tpu.memref_slice %arg4[%add3A_177, %dma_wait3A_180] : memref<16384x1024xf32, #tpu.memory_space<hbm>> -> memref<16x1024xf32, #tpu.memory_space<hbm>>
      tpu.wait_dma2 semaphore(%arg16 : memref<!tpu.dma_semaphore, #tpu.memory_space<semaphore_mem>>) src(%arg8 : memref<16x1024xf32, #tpu.memory_space<vmem>>) dst(%dma_wait3A_181 : memref<16x1024xf32, #tpu.memory_space<hbm>>)
      %add3A_182 = arith.constant 4 : i32
      %add3A_183 = arith.addi %add3A_161, %add3A_182 : i32
      %mul3A_184 = arith.constant 16 : i32
      %mul3A_185 = arith.muli %add3A_183, %mul3A_184 : i32
      %dma_start3A_186 = tpu.memref_slice %arg5[%mul3A_185] : memref<512xi32, #tpu.memory_space<vmem>> -> memref<16xi32, #tpu.memory_space<vmem>>
      %dma_start3A_187 = arith.constant 0 : i32
      %dma_start3A_188 = arith.constant 0 : i32
      %dma_start3A_189 = tpu.memref_slice %arg3[%dma_start3A_187, %dma_start3A_188] : memref<100000x1024xf32, #tpu.memory_space<hbm>> -> memref<100000x1024xf32, #tpu.memory_space<hbm>>
      tpu.enqueue_indirect_dma source(%dma_start3A_189 : memref<100000x1024xf32, #tpu.memory_space<hbm>>) target(%arg8 : memref<16x1024xf32, #tpu.memory_space<vmem>>) offsets(%dma_start3A_186 : memref<16xi32, #tpu.memory_space<vmem>>) semaphore(%arg12 : memref<!tpu.dma_semaphore, #tpu.memory_space<semaphore_mem>>)
      %mul3A_190 = arith.constant 4 : i32
      %mul3A_191 = arith.muli %scan3A_93, %mul3A_190 : i32
      %add3A_192 = arith.constant 3 : i32
      %add3A_193 = arith.addi %mul3A_191, %add3A_192 : i32
      %mul3A_194 = arith.constant 16 : i32
      %mul3A_195 = arith.muli %add3A_193, %mul3A_194 : i32
      %dma_wait3A_196 = tpu.memref_slice %arg5[%mul3A_195] : memref<512xi32, #tpu.memory_space<vmem>> -> memref<16xi32, #tpu.memory_space<vmem>>
      %dma_wait3A_197 = arith.constant 0 : i32
      %dma_wait3A_198 = arith.constant 0 : i32
      %dma_wait3A_199 = tpu.memref_slice %arg3[%dma_wait3A_197, %dma_wait3A_198] : memref<100000x1024xf32, #tpu.memory_space<hbm>> -> memref<100000x1024xf32, #tpu.memory_space<hbm>>
      tpu.wait_indirect_dma semaphore(%arg13 : memref<!tpu.dma_semaphore, #tpu.memory_space<semaphore_mem>>) src(%dma_wait3A_199 : memref<100000x1024xf32, #tpu.memory_space<hbm>>) dst(%arg9 : memref<16x1024xf32, #tpu.memory_space<vmem>>)
      %mul3A_200 = arith.constant 16 : i32
      %mul3A_201 = arith.muli %add3A_193, %mul3A_200 : i32
      %add3A_202 = arith.addi %mul3A_2, %mul3A_201 : i32
      %dma_start3A_203 = arith.constant 0 : i32
      %dma_start3A_204 = tpu.memref_slice %arg4[%add3A_202, %dma_start3A_203] : memref<16384x1024xf32, #tpu.memory_space<hbm>> -> memref<16x1024xf32, #tpu.memory_space<hbm>>
      %dma_start3A_205 = arith.constant 0 : i32
      %dma_start3A_206 = tpu.memref_slice %arg4[%add3A_202, %dma_start3A_205] : memref<16384x1024xf32, #tpu.memory_space<hbm>> -> memref<16x1024xf32, #tpu.memory_space<hbm>>
      tpu.enqueue_dma source(%arg9 : memref<16x1024xf32, #tpu.memory_space<vmem>>) target(%dma_start3A_206 : memref<16x1024xf32, #tpu.memory_space<hbm>>) target_semaphore(%arg17 : memref<!tpu.dma_semaphore, #tpu.memory_space<semaphore_mem>>)
      %mul3A_207 = arith.constant 16 : i32
      %mul3A_208 = arith.muli %add3A_193, %mul3A_207 : i32
      %add3A_209 = arith.addi %mul3A_2, %mul3A_208 : i32
      %dma_wait3A_210 = arith.constant 0 : i32
      %dma_wait3A_211 = tpu.memref_slice %arg4[%add3A_209, %dma_wait3A_210] : memref<16384x1024xf32, #tpu.memory_space<hbm>> -> memref<16x1024xf32, #tpu.memory_space<hbm>>
      %dma_wait3A_212 = arith.constant 0 : i32
      %dma_wait3A_213 = tpu.memref_slice %arg4[%add3A_209, %dma_wait3A_212] : memref<16384x1024xf32, #tpu.memory_space<hbm>> -> memref<16x1024xf32, #tpu.memory_space<hbm>>
      tpu.wait_dma2 semaphore(%arg17 : memref<!tpu.dma_semaphore, #tpu.memory_space<semaphore_mem>>) src(%arg9 : memref<16x1024xf32, #tpu.memory_space<vmem>>) dst(%dma_wait3A_213 : memref<16x1024xf32, #tpu.memory_space<hbm>>)
      %add3A_214 = arith.constant 4 : i32
      %add3A_215 = arith.addi %add3A_193, %add3A_214 : i32
      %mul3A_216 = arith.constant 16 : i32
      %mul3A_217 = arith.muli %add3A_215, %mul3A_216 : i32
      %dma_start3A_218 = tpu.memref_slice %arg5[%mul3A_217] : memref<512xi32, #tpu.memory_space<vmem>> -> memref<16xi32, #tpu.memory_space<vmem>>
      %dma_start3A_219 = arith.constant 0 : i32
      %dma_start3A_220 = arith.constant 0 : i32
      %dma_start3A_221 = tpu.memref_slice %arg3[%dma_start3A_219, %dma_start3A_220] : memref<100000x1024xf32, #tpu.memory_space<hbm>> -> memref<100000x1024xf32, #tpu.memory_space<hbm>>
      tpu.enqueue_indirect_dma source(%dma_start3A_221 : memref<100000x1024xf32, #tpu.memory_space<hbm>>) target(%arg9 : memref<16x1024xf32, #tpu.memory_space<vmem>>) offsets(%dma_start3A_218 : memref<16xi32, #tpu.memory_space<vmem>>) semaphore(%arg13 : memref<!tpu.dma_semaphore, #tpu.memory_space<semaphore_mem>>)
    }
    %scan3A_25 = arith.constant 7 : i32
    %dma_wait3A = arith.constant 448 : i32
    %dma_wait3A_26 = tpu.memref_slice %arg5[%dma_wait3A] : memref<512xi32, #tpu.memory_space<vmem>> -> memref<16xi32, #tpu.memory_space<vmem>>
    %dma_wait3A_27 = arith.constant 0 : i32
    %dma_wait3A_28 = arith.constant 0 : i32
    %dma_wait3A_29 = tpu.memref_slice %arg3[%dma_wait3A_27, %dma_wait3A_28] : memref<100000x1024xf32, #tpu.memory_space<hbm>> -> memref<100000x1024xf32, #tpu.memory_space<hbm>>
    tpu.wait_indirect_dma semaphore(%arg10 : memref<!tpu.dma_semaphore, #tpu.memory_space<semaphore_mem>>) src(%dma_wait3A_29 : memref<100000x1024xf32, #tpu.memory_space<hbm>>) dst(%arg6 : memref<16x1024xf32, #tpu.memory_space<vmem>>)
    %add3A_30 = arith.constant 448 : i32
    %add3A_31 = arith.addi %mul3A_2, %add3A_30 : i32
    %dma_start3A_32 = arith.constant 0 : i32
    %dma_start3A_33 = tpu.memref_slice %arg4[%add3A_31, %dma_start3A_32] : memref<16384x1024xf32, #tpu.memory_space<hbm>> -> memref<16x1024xf32, #tpu.memory_space<hbm>>
    %dma_start3A_34 = arith.constant 0 : i32
    %dma_start3A_35 = tpu.memref_slice %arg4[%add3A_31, %dma_start3A_34] : memref<16384x1024xf32, #tpu.memory_space<hbm>> -> memref<16x1024xf32, #tpu.memory_space<hbm>>
    tpu.enqueue_dma source(%arg6 : memref<16x1024xf32, #tpu.memory_space<vmem>>) target(%dma_start3A_35 : memref<16x1024xf32, #tpu.memory_space<hbm>>) target_semaphore(%arg14 : memref<!tpu.dma_semaphore, #tpu.memory_space<semaphore_mem>>)
    %dma_wait3A_36 = arith.constant 464 : i32
    %dma_wait3A_37 = tpu.memref_slice %arg5[%dma_wait3A_36] : memref<512xi32, #tpu.memory_space<vmem>> -> memref<16xi32, #tpu.memory_space<vmem>>
    %dma_wait3A_38 = arith.constant 0 : i32
    %dma_wait3A_39 = arith.constant 0 : i32
    %dma_wait3A_40 = tpu.memref_slice %arg3[%dma_wait3A_38, %dma_wait3A_39] : memref<100000x1024xf32, #tpu.memory_space<hbm>> -> memref<100000x1024xf32, #tpu.memory_space<hbm>>
    tpu.wait_indirect_dma semaphore(%arg11 : memref<!tpu.dma_semaphore, #tpu.memory_space<semaphore_mem>>) src(%dma_wait3A_40 : memref<100000x1024xf32, #tpu.memory_space<hbm>>) dst(%arg7 : memref<16x1024xf32, #tpu.memory_space<vmem>>)
    %add3A_41 = arith.constant 464 : i32
    %add3A_42 = arith.addi %mul3A_2, %add3A_41 : i32
    %dma_start3A_43 = arith.constant 0 : i32
    %dma_start3A_44 = tpu.memref_slice %arg4[%add3A_42, %dma_start3A_43] : memref<16384x1024xf32, #tpu.memory_space<hbm>> -> memref<16x1024xf32, #tpu.memory_space<hbm>>
    %dma_start3A_45 = arith.constant 0 : i32
    %dma_start3A_46 = tpu.memref_slice %arg4[%add3A_42, %dma_start3A_45] : memref<16384x1024xf32, #tpu.memory_space<hbm>> -> memref<16x1024xf32, #tpu.memory_space<hbm>>
    tpu.enqueue_dma source(%arg7 : memref<16x1024xf32, #tpu.memory_space<vmem>>) target(%dma_start3A_46 : memref<16x1024xf32, #tpu.memory_space<hbm>>) target_semaphore(%arg15 : memref<!tpu.dma_semaphore, #tpu.memory_space<semaphore_mem>>)
    %dma_wait3A_47 = arith.constant 480 : i32
    %dma_wait3A_48 = tpu.memref_slice %arg5[%dma_wait3A_47] : memref<512xi32, #tpu.memory_space<vmem>> -> memref<16xi32, #tpu.memory_space<vmem>>
    %dma_wait3A_49 = arith.constant 0 : i32
    %dma_wait3A_50 = arith.constant 0 : i32
    %dma_wait3A_51 = tpu.memref_slice %arg3[%dma_wait3A_49, %dma_wait3A_50] : memref<100000x1024xf32, #tpu.memory_space<hbm>> -> memref<100000x1024xf32, #tpu.memory_space<hbm>>
    tpu.wait_indirect_dma semaphore(%arg12 : memref<!tpu.dma_semaphore, #tpu.memory_space<semaphore_mem>>) src(%dma_wait3A_51 : memref<100000x1024xf32, #tpu.memory_space<hbm>>) dst(%arg8 : memref<16x1024xf32, #tpu.memory_space<vmem>>)
    %add3A_52 = arith.constant 480 : i32
    %add3A_53 = arith.addi %mul3A_2, %add3A_52 : i32
    %dma_start3A_54 = arith.constant 0 : i32
    %dma_start3A_55 = tpu.memref_slice %arg4[%add3A_53, %dma_start3A_54] : memref<16384x1024xf32, #tpu.memory_space<hbm>> -> memref<16x1024xf32, #tpu.memory_space<hbm>>
    %dma_start3A_56 = arith.constant 0 : i32
    %dma_start3A_57 = tpu.memref_slice %arg4[%add3A_53, %dma_start3A_56] : memref<16384x1024xf32, #tpu.memory_space<hbm>> -> memref<16x1024xf32, #tpu.memory_space<hbm>>
    tpu.enqueue_dma source(%arg8 : memref<16x1024xf32, #tpu.memory_space<vmem>>) target(%dma_start3A_57 : memref<16x1024xf32, #tpu.memory_space<hbm>>) target_semaphore(%arg16 : memref<!tpu.dma_semaphore, #tpu.memory_space<semaphore_mem>>)
    %dma_wait3A_58 = arith.constant 496 : i32
    %dma_wait3A_59 = tpu.memref_slice %arg5[%dma_wait3A_58] : memref<512xi32, #tpu.memory_space<vmem>> -> memref<16xi32, #tpu.memory_space<vmem>>
    %dma_wait3A_60 = arith.constant 0 : i32
    %dma_wait3A_61 = arith.constant 0 : i32
    %dma_wait3A_62 = tpu.memref_slice %arg3[%dma_wait3A_60, %dma_wait3A_61] : memref<100000x1024xf32, #tpu.memory_space<hbm>> -> memref<100000x1024xf32, #tpu.memory_space<hbm>>
    tpu.wait_indirect_dma semaphore(%arg13 : memref<!tpu.dma_semaphore, #tpu.memory_space<semaphore_mem>>) src(%dma_wait3A_62 : memref<100000x1024xf32, #tpu.memory_space<hbm>>) dst(%arg9 : memref<16x1024xf32, #tpu.memory_space<vmem>>)
    %add3A_63 = arith.constant 496 : i32
    %add3A_64 = arith.addi %mul3A_2, %add3A_63 : i32
    %dma_start3A_65 = arith.constant 0 : i32
    %dma_start3A_66 = tpu.memref_slice %arg4[%add3A_64, %dma_start3A_65] : memref<16384x1024xf32, #tpu.memory_space<hbm>> -> memref<16x1024xf32, #tpu.memory_space<hbm>>
    %dma_start3A_67 = arith.constant 0 : i32
    %dma_start3A_68 = tpu.memref_slice %arg4[%add3A_64, %dma_start3A_67] : memref<16384x1024xf32, #tpu.memory_space<hbm>> -> memref<16x1024xf32, #tpu.memory_space<hbm>>
    tpu.enqueue_dma source(%arg9 : memref<16x1024xf32, #tpu.memory_space<vmem>>) target(%dma_start3A_68 : memref<16x1024xf32, #tpu.memory_space<hbm>>) target_semaphore(%arg17 : memref<!tpu.dma_semaphore, #tpu.memory_space<semaphore_mem>>)
    %add3A_69 = arith.constant 448 : i32
    %add3A_70 = arith.addi %mul3A_2, %add3A_69 : i32
    %dma_wait3A_71 = arith.constant 0 : i32
    %dma_wait3A_72 = tpu.memref_slice %arg4[%add3A_70, %dma_wait3A_71] : memref<16384x1024xf32, #tpu.memory_space<hbm>> -> memref<16x1024xf32, #tpu.memory_space<hbm>>
    %dma_wait3A_73 = arith.constant 0 : i32
    %dma_wait3A_74 = tpu.memref_slice %arg4[%add3A_70, %dma_wait3A_73] : memref<16384x1024xf32, #tpu.memory_space<hbm>> -> memref<16x1024xf32, #tpu.memory_space<hbm>>
    tpu.wait_dma2 semaphore(%arg14 : memref<!tpu.dma_semaphore, #tpu.memory_space<semaphore_mem>>) src(%arg6 : memref<16x1024xf32, #tpu.memory_space<vmem>>) dst(%dma_wait3A_74 : memref<16x1024xf32, #tpu.memory_space<hbm>>)
    %add3A_75 = arith.constant 464 : i32
    %add3A_76 = arith.addi %mul3A_2, %add3A_75 : i32
    %dma_wait3A_77 = arith.constant 0 : i32
    %dma_wait3A_78 = tpu.memref_slice %arg4[%add3A_76, %dma_wait3A_77] : memref<16384x1024xf32, #tpu.memory_space<hbm>> -> memref<16x1024xf32, #tpu.memory_space<hbm>>
    %dma_wait3A_79 = arith.constant 0 : i32
    %dma_wait3A_80 = tpu.memref_slice %arg4[%add3A_76, %dma_wait3A_79] : memref<16384x1024xf32, #tpu.memory_space<hbm>> -> memref<16x1024xf32, #tpu.memory_space<hbm>>
    tpu.wait_dma2 semaphore(%arg15 : memref<!tpu.dma_semaphore, #tpu.memory_space<semaphore_mem>>) src(%arg7 : memref<16x1024xf32, #tpu.memory_space<vmem>>) dst(%dma_wait3A_80 : memref<16x1024xf32, #tpu.memory_space<hbm>>)
    %add3A_81 = arith.constant 480 : i32
    %add3A_82 = arith.addi %mul3A_2, %add3A_81 : i32
    %dma_wait3A_83 = arith.constant 0 : i32
    %dma_wait3A_84 = tpu.memref_slice %arg4[%add3A_82, %dma_wait3A_83] : memref<16384x1024xf32, #tpu.memory_space<hbm>> -> memref<16x1024xf32, #tpu.memory_space<hbm>>
    %dma_wait3A_85 = arith.constant 0 : i32
    %dma_wait3A_86 = tpu.memref_slice %arg4[%add3A_82, %dma_wait3A_85] : memref<16384x1024xf32, #tpu.memory_space<hbm>> -> memref<16x1024xf32, #tpu.memory_space<hbm>>
    tpu.wait_dma2 semaphore(%arg16 : memref<!tpu.dma_semaphore, #tpu.memory_space<semaphore_mem>>) src(%arg8 : memref<16x1024xf32, #tpu.memory_space<vmem>>) dst(%dma_wait3A_86 : memref<16x1024xf32, #tpu.memory_space<hbm>>)
    %add3A_87 = arith.constant 496 : i32
    %add3A_88 = arith.addi %mul3A_2, %add3A_87 : i32
    %dma_wait3A_89 = arith.constant 0 : i32
    %dma_wait3A_90 = tpu.memref_slice %arg4[%add3A_88, %dma_wait3A_89] : memref<16384x1024xf32, #tpu.memory_space<hbm>> -> memref<16x1024xf32, #tpu.memory_space<hbm>>
    %dma_wait3A_91 = arith.constant 0 : i32
    %dma_wait3A_92 = tpu.memref_slice %arg4[%add3A_88, %dma_wait3A_91] : memref<16384x1024xf32, #tpu.memory_space<hbm>> -> memref<16x1024xf32, #tpu.memory_space<hbm>>
    tpu.wait_dma2 semaphore(%arg17 : memref<!tpu.dma_semaphore, #tpu.memory_space<semaphore_mem>>) src(%arg9 : memref<16x1024xf32, #tpu.memory_space<vmem>>) dst(%dma_wait3A_92 : memref<16x1024xf32, #tpu.memory_space<hbm>>)
    return
  }
}

module attributes {stable_mosaic.version = 14 : i64} {
  func.func @_attn_body(%arg0: memref<4x4096xi32, #tpu.memory_space<vmem>>, %arg1: memref<4x4096xf32, #tpu.memory_space<vmem>>) attributes {dimension_semantics = [], scalar_prefetch = 0 : i64, scratch_operands = 0 : i64, tpu.core_type = #tpu.core_type<tc>} {
    %get3A = arith.constant 0 : index
    %get3A_0 = arith.constant 0 : index
    %get3A_1 = vector.load %arg0[%get3A, %get3A_0] : memref<4x4096xi32, #tpu.memory_space<vmem>>, vector<4x4096xi32>
    %ne3A = arith.constant 0 : i32
    %ne3A_2 = vector.broadcast %ne3A : i32 to vector<4x4096xi32>
    %ne3A_3 = arith.cmpi ne, %get3A_1, %ne3A_2 : vector<4x4096xi32>
    %convert_element_type3A = arith.extui %ne3A_3 : vector<4x4096xi1> to vector<4x4096xi32>
    %convert_element_type3A_4 = arith.sitofp %convert_element_type3A : vector<4x4096xi32> to vector<4x4096xf32>
    %swap3A = arith.constant 0 : index
    %swap3A_5 = arith.constant 0 : index
    %swap3A_6 = vector.load %arg1[%swap3A, %swap3A_5] : memref<4x4096xf32, #tpu.memory_space<vmem>>, vector<4x4096xf32>
    tpu.vector_store %arg1[%swap3A, %swap3A_5], %convert_element_type3A_4 {strides = array<i32>} : memref<4x4096xf32, #tpu.memory_space<vmem>>, vector<4x4096xf32>,
    return
  }
}

</mosaic_0001>

<sc_bundles>
// kernel: kernel.4.cloned.1.call-start
scs
__scs_entry_jumppad:
0x0: {  	(pc) =	sbr.rel $0x88, $3  }
0x1: {  	(tag) =	ssettag $0x0;
	lr =	simm.s32 $0x1  }
0x2: {  	[smem:$0x3F9F] =	sst lr;
	_ =	strace $0xD0000000  }
0x3: {  	_ = 	snop  }
0x4: {  	_ = 	snop  }
0x5: {  	_ = 	snop  }
0x6: {  	_ = 	snop  }
0x7: {  	_ = 	snop  }
__scs_overlays_trampoline_lowered:
0x8: {  	[smem:$0x3FAE] =	sst s0  }
0x9: {  	[smem:$0x3FAF] =	sst s1  }
0xa: {  	[smem:$0x3FB0] =	sst s2  }
0xb: {  	[smem:$0x3FB1] =	sst s3  }
0xc: {  	[smem:$0x3FB2] =	sst s4  }
0xd: {  	[smem:$0x3FB3] =	sst s5  }
0xe: {  	[smem:$0x3FB4] =	sst s6  }
0xf: {  	[smem:$0x3FB5] =	sst s7  }
0x10: {  	[smem:$0x3FB6] =	sst s8  }
0x11: {  	[smem:$0x3FB7] =	sst s9;
	s0 =	simm.s32 @!p0 $0x0  }
0x12: {  	s1 =	sld [smem:$0x3F9D];
	s0 =	simm.s32 @p0 $0x1  }
0x13: {  	[smem:$0x3FB8] =	sst s0;
	s0 =	simm.s32 @!p1 $0x0  }
0x14: {  	s2 =	sld [smem:$0x3F9C];
	s0 =	simm.s32 @p1 $0x1  }
0x15: {  	[smem:$0x3FB9] =	sst s0;
	s0 =	simm.s32 @!p2 $0x0  }
0x16: {  	s3 =	sld [smem:$0x3FDB];
	s0 =	simm.s32 @p2 $0x1  }
0x17: {  	s4 =	simm.s32 $0x1BF5;
	[smem:$0x3FBB] =	sst s0  }
0x18: {  	s0 =	sld [smem:$0x3F9E];
	_ =	swait.ge [sflag:s4], $0x0  }
0x19: {  	s7 =	sld [smem:$0x3F9F]  }
0x1a: {  	s8 =	sadd.s32 $0xFFFFE003, lr  }
0x1b: {  	s9 =	sadd.s32 $0xFFFFFEF7, lr;
	s5 =	simm.s32 $0xFFFFFFFF;
	p2 =	slt.u32 s8, $0xFFFFF086  }
0x1c: {  	p1 =	slt.u32 s9, $0xF7A;
	s5 =	simm.s32 @!p2 $0x0  }
0x1d: {  	s5 =	simm.s32 @p1 $0x1;
	p0 =	seq.s32 s7, s2  }
0x1e: {  	s7 =	smul.u32 @!p0 $0xF7A, s2;
	p2 =	seq.s32 @!p0 s5, $0x0  }
0x1f: {  	s9 =	smul.u32 $0xF7A, s1;
	s8 =	simm.s32 @!p0 $0x1BF5;
	p2 =	por !p2, p0  }
0x20: {  	[sflag:s8] =	ssyncset.s32 @!p0 $0xFFFFF086;
	s6 =	sadd.s32 @!p0 s3, s7;
	s7 =	simm.s32 @!p0 $0x108  }
0x21: {  	s3 =	sadd.s32 s3, s9;
	s6 =	sadd.s32 @!p0 $0x88, s6;
	s7 =	simm.s32 @p2 $0x1082  }
0x22: {  	[simem:s7], [sflag:s8] =	dma.local @!p0 [hbm:s6], $0xF7A  }
0x23: {  	s9 =	sor.u32 $0xD0000000, s2;
	s6 =	simm.s32 $0x108;
	_ =	swait.ge @!p0 [sflag:s8], $0x0  }
0x24: {  	s3 =	sadd.s32 $0x88, s3;
	s6 =	simm.s32 @!p1 $0x1082;
	[sflag:s4] =	ssyncset.s32 $0xFFFFF086  }
0x25: {  	[simem:s6], [sflag:s4] =	dma.local [hbm:s3], $0xF7A  }
0x26: {  	[smem:$0x3F9F] =	sst s1;
	(tag) =	ssettag s2;
	_ =	strace s9  }
0x27: {  	s1 =	sld [smem:$0x3FAF]  }
0x28: {  	s2 =	sld [smem:$0x3FB0]  }
0x29: {  	s4 =	sld [smem:$0x3FB2]  }
0x2a: {  	p0 =	seq.s32 s5, $0x0;
	s5 =	sld [smem:$0x3FB3]  }
0x2b: {  	s6 =	sld [smem:$0x3FB4]  }
0x2c: {  	s7 =	sld [smem:$0x3FB5]  }
0x2d: {  	s3 =	simm.s32 $0x108;
	s8 =	sld [smem:$0x3FB6]  }
0x2e: {  	s3 =	simm.s32 @!p0 $0x1082;
	s9 =	sld [smem:$0x3FB7]  }
0x2f: {  	lr =	sadd.s32 s0, s3;
	s0 =	sld [smem:$0x3FAE]  }
0x30: {  	s3 =	sld [smem:$0x3FB1]  }
0x31: {  	[smem:$0x3FBA] =	sst s10  }
0x32: {  	s10 =	sld [smem:$0x3FB8];
	_ =	sdelay $0x3  }
0x33: {  	p0 =	seq.s32 s10, $0x1;
	s10 =	sld [smem:$0x3FBA];
	_ =	sdelay $0x3  }
0x34: {  	[smem:$0x3FBA] =	sst s10  }
0x35: {  	s10 =	sld [smem:$0x3FB9];
	_ =	sdelay $0x3  }
0x36: {  	p1 =	seq.s32 s10, $0x1;
	s10 =	sld [smem:$0x3FBA];
	_ =	sdelay $0x3  }
0x37: {  	[smem:$0x3FBA] =	sst s10  }
0x38: {  	s10 =	sld [smem:$0x3FBB]  }
0x39: {  	_ = 	snop;
	(pc) =	sbr.ind lr, $3  }
0x3a: {  	_ = 	snop  }
0x3b: {  	_ = 	snop  }
0x3c: {  	p2 =	seq.s32 s10, $0x1;
	s10 =	sld [smem:$0x3FBA]  }
0x3d: {  	_ =	shalt  }
0x3e: {  	_ =	shalt  }
0x3f: {  	_ =	shalt  }
0x40: {  	_ =	shalt  }
0x41: {  	_ =	shalt  }
0x42: {  	_ =	shalt  }
0x43: {  	_ =	shalt  }
0x44: {  	_ =	shalt  }
0x45: {  	_ =	shalt  }
0x46: {  	_ =	shalt  }
0x47: {  	_ =	shalt  }
0x48: {  	_ =	shalt  }
0x49: {  	_ =	shalt  }
0x4a: {  	_ =	shalt  }
0x4b: {  	_ =	shalt  }
0x4c: {  	_ =	shalt  }
0x4d: {  	_ =	shalt  }
0x4e: {  	_ =	shalt  }
0x4f: {  	_ =	shalt  }
0x50: {  	_ =	shalt  }
0x51: {  	_ =	shalt  }
0x52: {  	_ =	shalt  }
0x53: {  	_ =	shalt  }
0x54: {  	_ =	shalt  }
0x55: {  	_ =	shalt  }
0x56: {  	_ =	shalt  }
0x57: {  	_ =	shalt  }
0x58: {  	_ =	shalt  }
0x59: {  	_ =	shalt  }
0x5a: {  	_ =	shalt  }
0x5b: {  	_ =	shalt  }
0x5c: {  	_ =	shalt  }
0x5d: {  	_ =	shalt  }
0x5e: {  	_ =	shalt  }
0x5f: {  	_ =	shalt  }
0x60: {  	_ =	shalt  }
0x61: {  	_ =	shalt  }
0x62: {  	_ =	shalt  }
0x63: {  	_ =	shalt  }
0x64: {  	_ =	shalt  }
0x65: {  	_ =	shalt  }
0x66: {  	_ =	shalt  }
0x67: {  	_ =	shalt  }
0x68: {  	_ =	shalt  }
0x69: {  	_ =	shalt  }
0x6a: {  	_ =	shalt  }
0x6b: {  	_ =	shalt  }
0x6c: {  	_ =	shalt  }
0x6d: {  	_ =	shalt  }
0x6e: {  	_ =	shalt  }
0x6f: {  	_ =	shalt  }
0x70: {  	_ =	shalt  }
0x71: {  	_ =	shalt  }
0x72: {  	_ =	shalt  }
0x73: {  	_ =	shalt  }
0x74: {  	_ =	shalt  }
0x75: {  	_ =	shalt  }
0x76: {  	_ =	shalt  }
0x77: {  	_ =	shalt  }
0x78: {  	_ =	shalt  }
0x79: {  	_ =	shalt  }
0x7a: {  	_ =	shalt  }
0x7b: {  	_ =	shalt  }
0x7c: {  	_ =	shalt  }
0x7d: {  	_ =	shalt  }
0x7e: {  	_ =	shalt  }
0x7f: {  	_ =	shalt  }
0x80: {  	_ =	shalt  }
0x81: {  	_ =	shalt  }
0x82: {  	_ =	shalt  }
0x83: {  	_ =	shalt  }
0x84: {  	_ =	shalt  }
0x85: {  	_ =	shalt  }
0x86: {  	_ =	shalt  }
0x87: {  	_ =	shalt  }
.Lfunc_end0:
.L_simem_size_0:
called_computation_lowered:
.L_overlay_start_0:
0x88: {  	s2 =	sld [smem:$0x3FD9]  }
0x89: {  	s3 =	sld [smem:$0x3FFE];
	_ =	sdelay $0x1  }
0x8a: {  	s1 =	srdreg.scid  }
0x8b: {  	s0 =	sand.u32 $0x1, s1  }
0x8c: {  	s14 =	sshll.u32 s0, $0xA;
	s2 =	sadd.s32 s3, s2  }
0x8d: {  	s2 =	sadd.s32 s2, s14  }
0x8e: {  	[smem:$0x3FC6] =	sst s2  }
0x8f: {  	_ = 	snop  }
0x90: {  	s2 =	sld [smem:$0x3FD0];
	_ =	sdelay $0x2  }
0x91: {  	s4 =	simm.s32 $0xA;
	s5 =	simm.s32 $0x10;
	s15 =	sld [smem:$0x3FC8]  }
0x92: {  	[smem:s5], [sflag:s4] =	dma.local [hbm:s2], $0x1  }
0x93: {  	_ =	swait.eq [sflag:s4], $0x1  }
0x94: {  	[sflag:s4] =	ssyncset.done $0x0  }
0x95: {  	[sflag:s4] =	ssyncadd.s32 $0xFFFFFFFF  }
0x96: {  	s16 =	sld [smem:$0x10];
	(tm) =	ssettm $0x1  }
0x97: {  	s17 =	sld [smem:$0x3FFB];
	_ =	sdelay $0x3  }
0x98: {  	_ =	strace s17  }
0x99: {  	s4 =	sld [smem:$0x3FFC];
	_ =	sdelay $0x3  }
0x9a: {  	_ =	strace s4  }
0x9b: {  	s4 =	sld [smem:$0x3FFD];
	_ =	sdelay $0x3  }
0x9c: {  	_ =	strace s4  }
0x9d: {  	_ =	strace $0x8FFFFFFF  }
0x9e: {  	s18 =	sld [smem:$0x3FDB];
	_ =	sdelay $0x1  }
0x9f: {  	s19 =	simm.s32 $_scs_section_size  }
0xa0: {  	s6 =	simm.s32 $_size__tile_overlayer_lowered;
	s7 =	simm.s32 $_tile_overlayer_lowered  }
0xa1: {  	s22 =	simm.s32 $0x1BFF;
	s21 =	sshll.u32 s7, $0x1;
	s4 =	sadd.s32 s19, s18  }
0xa2: {  	s8 =	simm.s32 $0x0;
	s20 =	sshll.u32 s6, $0x1;
	s6 =	sadd.s32 s21, s4  }
0xa3: {  	[timem:s8], [sflag:s22] =	dma.local [hbm:s6], s20  }
0xa4: {  	_ =	swait.ge [sflag:s22], s20  }
0xa5: {  	s5 =	ssub.s32 $0x0, s20;
	[sflag:s22] =	ssyncset.done $0x0  }
0xa6: {  	[sflag:s22] =	ssyncadd.s32 s5;
	_ =	sdelay $0x1  }
0xa7: {  	s23 =	simm.s32 $0x1B8B  }
0xa8: {  	_ =	swait.ge [sflag:s23], $0x1  }
0xa9: {  	[sflag:s23] =	ssyncset.done $0x0  }
0xaa: {  	s25 =	simm.s32 $0x1B8E;
	s24 =	sld [smem:$0x3FFE];
	[sflag:s23] =	ssyncadd.s32 $0xFFFFFFFF  }
0xab: {  	s26 =	simm.s32 $execute0_lowered;
	[smem:$0x3FD2] =	sst s25  }
0xac: {  	s6 =	sshll.u32 s26, $0x1;
	_ =	strace $0x80000046;
	[dreg:$0x1] =	wrdreg $0xFFFFFFFF  }
0xad: {  	s28 =	simm.s32 $_size_execute0_lowered;
	s4 =	sadd.s32 s4, s6;
	[dreg:$0x0] =	wrdreg $0x0  }
0xae: {  	s6 =	sshll.u32 s28, $0x1;
	[dreg:$0x2] =	wrdreg s4  }
0xaf: {  	[dreg:$0x3] =	wrdreg s6  }
0xb0: {  	[dreg:$0x4] =	wrdreg $0xC0  }
0xb1: {  	_ =	task [dreg:s8], $0x5FFFF  }
0xb2: {  	[dreg:$0x1] =	wrdreg $0xFFFFFFFF  }
0xb3: {  	[dreg:$0x0] =	wrdreg $0x60  }
0xb4: {  	[dreg:$0x2] =	wrdreg s24  }
0xb5: {  	[dreg:$0x3] =	wrdreg s15  }
0xb6: {  	[dreg:$0x4] =	wrdreg s16  }
0xb7: {  	[dreg:$0x5] =	wrdreg $0x9  }
0xb8: {  	_ =	task.clear_ibuf [dreg:s8], $0x6FFFF;
	_ =	strace $0x90000046  }
0xb9: {  	s29 =	simm.s32 $0x9;
	_ =	strace $0x80000048  }
0xba: {  	_ =	swait.ge [sflag:s29], $0x1  }
0xbb: {  	[sflag:s29] =	ssyncadd.s32 $0xFFFFFFFF  }
0xbc: {  	_ =	strace $0x90000048  }
0xbd: {  	_ =	sfence  }
0xbe: {  	s30 =	sld [smem:$0x0];
	_ =	sdelay $0x2  }
0xbf: {  	s31 =	sshll.u32 s1, $0xD;
	s1 =	sshrl.u32 s1, $0x2  }
0xc0: {  	s3 =	sand.u32 $0x4000, s31;
	s1 =	sadd.s32 s1, s30  }
0xc1: {  	s0 =	sor.u32 s3, s0;
	s1 =	sshll.u32 s1, $0x11  }
0xc2: {  	s0 =	sor.u32 s1, s0  }
0xc3: {  	s0 =	sadd.s32 $0x8F2B, s0  }
0xc4: {  	[sflag:s0] =	ssyncadd.remote.s32 $0x1  }
0xc5: {  	_ =	sfence.sel $0xFFFF  }
0xc6: {  	[dreg:$0x0] =	wrdreg $0xFFFFFFFF;
	(pc) =	sbr.abs _section_cstart, $3  }
0xc7: {  	[dreg:$0x1] =	wrdreg $0xFFFFFFFF  }
0xc8: {  	_ =	task.clear_ibuf [dreg:s8], $0x2FFFF;
	_ =	strace $0x9FFFFFFF  }
0xc9: {  	(tm) =	ssettm $0x7FFFFFFF  }
tec
execute0_lowered:
.L_overlay_start_1:
0x0: {  	(tag) =	ssettag $0x1  }
0x1: {  	s0 =	rddreg [dreg:$0x0]  }
0x2: {  	s1 =	srdreg.scid;
	s2 =	rddreg [dreg:$0x1]  }
0x3: {  	s9 =	stileid.u32;
	s4 =	rddreg [dreg:$0x2];
	s19 =	simm.s32 $0x3200  }
0x4: {  	s13 =	simm.s32 $0x3A00;
	s31 =	simm.s32 $0x4200;
	s15 =	simm.s32 $0x4A00  }
0x5: {  	s16 =	simm.s32 $0x5200;
	s17 =	simm.s32 $0x5A00;
	s18 =	simm.s32 $0x6200  }
0x6: {  	s14 =	simm.s32 $0x6A00;
	s20 =	simm.s32 $0x7200;
	s11 =	simm.s32 $0x8200  }
0x7: {  	s12 =	simm.s32 $0xC200;
	s21 =	simm.s32 $0x1;
	s28 =	simm.s32 $0x7  }
0x8: {  	s29 =	simm.s32 $0x4;
	s30 =	simm.s32 $0x8;
	s1 =	sand.u32 $0x1, s1  }
0x9: {  	s3 =	sshll.u32 s9, $0xA;
	s9 =	sshll.u32 s9, $0x11;
	s5 =	sshll.u32 s1, $0x9  }
0xa: {  	s6 =	ssub.s32 $0x2, s1;
	s1 =	sshll.u32 s1, $0x10;
	s7 =	sor.u32 s5, s3  }
0xb: {  	s3 =	simm.s32 $0x0;
	s22 =	sshrl.u32 s6, $0x1;
	s5 =	sshrl.u32 s7, $0x3  }
0xc: {  	[smem:$0x7FF] =	sst s3;
	s8 =	ssub.s32 s6, s22;
	s6 =	sadd.s32 $0x200, s2  }
0xd: {  	s23 =	sshll.u32 s7, $0x7;
	s7 =	sadd.s32 $0x300, s2;
	s0 =	sadd.s32 s5, s0  }
0xe: {  	s22 =	simm.s32 $0x200;
	_ =	strace $0x80000047;
	s0 =	sadd.s32 $0x600, s0  }
0xf: {  	s26 =	smax.u32 s8, $0x1;
	[dreg:$0x5] =	wrdreg s0;
	s0 =	sadd.s32 s23, s4  }
0x10: {  	s5 =	sadd.s32 $0x100, s2;
	[dreg:$0xa] =	wrdreg s26;
	s10 =	sadd.s32 $0xE000, s0  }
0x11: {  	s8 =	simm.s32 $0xA00;
	s24 =	sadd.s32 $0xE800, s0;
	[dreg:$0x6] =	wrdreg s10  }
0x12: {  	s26 =	simm.s32 $0x3;
	s25 =	sadd.s32 $0xF000, s0;
	[dreg:$0x7] =	wrdreg s24  }
0x13: {  	s4 =	sadd.s32 s9, s4;
	s0 =	sadd.s32 $0xF800, s0;
	[dreg:$0x8] =	wrdreg s25  }
0x14: {  	s9 =	simm.s32 $0x2200;
	s1 =	sadd.s32 s1, s4;
	[dreg:$0x9] =	wrdreg s0  }
0x15: {  	v2 =	vlaneseq.u32;
	s23 =	simm.s32 $0x5;
	s4 =	simm.s32 $0x1A00;
	[dreg:$0x4] =	wrdreg s1  }
0x16: {  	vm0 =	vmmov $0xffff;
	v1 =	vshrl.u32 v2, $0x3;
	s1 =	simm.s32 $0x1200;
	s10 =	simm.s32 $0x2A00;
	s0 =	simm.s32 $0x0  }
0x17: {  	v0 =	vand.u32 $0x7, v2;
	v2 =	vor.u32 $0x8, v2;
	v1 =	vmul.u32 $0x8, v1;
	s24 =	simm.s32 $0x2;
	s25 =	simm.s32 $0x6;
	[dreg:$0xb] =	wrdreg s0  }
.LBB2_1:
0x18: {  	s0 =	rddreg [dreg:$0x5]  }
0x19: {  	[tilespmem:s3], [sflag:$0x9] =	stream.linear.gather [hbm4b:s0+s3], $0x200, $0x38;
	[tilespmem:$0x10200] =	vst v63  }
0x1a: {  	s0 =	simm.s32 $0x9  }
0x1b: {  	_ =	swait.ge [sflag:s0], $0x200  }
0x1c: {  	[sflag:s0] =	ssyncset.done $0x0  }
0x1d: {  	[sflag:s0] =	ssyncadd.s32 $0xFFFFFE00  }
0x1e: {  	v3 =	vld [tilespmem:$0x0];
	_ =	sdelay $0x4  }
0x1f: {  	v4 =	vshll.u32 v3, $0x3  }
0x20: {  	v3 =	vand.u32 $0x7, v3;
	v4 =	vand.u32 $0xFFFFFFC0, v4  }
0x21: {  	v3 =	vor.u32 v3, v4  }
0x22: {  	v4 =	vperm.xlane v3, v0;
	_ =	sdelay $0x1  }
0x23: {  	v4 =	vadd.s32 v1, v4;
	_ =	sdelay $0x4  }
0x24: {  	[tilespmem:s22], [sflag:$0x1] =	stream.indirect_vreg.gather [hbm4b:s2+s3], $0x80, v4, vm0, $0xb8;
	[tilespmem:$0x10200] =	vst v63  }
0x25: {  	v3 =	vperm.xlane v3, v2  }
0x26: {  	[tilespmem:s8], [sflag:$0x1] =	stream.indirect_vreg.gather [hbm4b:s5+s3], $0x80, v4, vm0, $0xb8;
	[tilespmem:$0x10200] =	vst v63  }
0x27: {  	v3 =	vadd.s32 v1, v3  }
0x28: {  	[tilespmem:s1], [sflag:$0x1] =	stream.indirect_vreg.gather [hbm4b:s6+s3], $0x80, v4, vm0, $0xb8;
	[tilespmem:$0x10200] =	vst v63  }
0x29: {  	_ = 	snop  }
0x2a: {  	[tilespmem:s4], [sflag:$0x1] =	stream.indirect_vreg.gather [hbm4b:s7+s3], $0x80, v4, vm0, $0xb8;
	[tilespmem:$0x10200] =	vst v63  }
0x2b: {  	_ = 	snop  }
0x2c: {  	[tilespmem:s9], [sflag:$0x1] =	stream.indirect_vreg.gather [hbm4b:s2+s3], $0x80, v3, vm0, $0xb8;
	[tilespmem:$0x10200] =	vst v63  }
0x2d: {  	_ = 	snop  }
0x2e: {  	[tilespmem:s10], [sflag:$0x1] =	stream.indirect_vreg.gather [hbm4b:s5+s3], $0x80, v3, vm0, $0xb8;
	[tilespmem:$0x10200] =	vst v63  }
0x2f: {  	_ = 	snop  }
0x30: {  	[tilespmem:s19], [sflag:$0x1] =	stream.indirect_vreg.gather [hbm4b:s6+s3], $0x80, v3, vm0, $0xb8;
	[tilespmem:$0x10200] =	vst v63  }
0x31: {  	_ = 	snop  }
0x32: {  	[tilespmem:s13], [sflag:$0x1] =	stream.indirect_vreg.gather [hbm4b:s7+s3], $0x80, v3, vm0, $0xb8;
	[tilespmem:$0x10200] =	vst v63  }
0x33: {  	v3 =	vld [tilespmem:$0x10];
	_ =	sdelay $0x4  }
0x34: {  	v61 =	vshll.u32 v3, $0x3  }
0x35: {  	v3 =	vand.u32 $0x7, v3;
	v4 =	vand.u32 $0xFFFFFFC0, v61  }
0x36: {  	v3 =	vor.u32 v3, v4  }
0x37: {  	v4 =	vperm.xlane v3, v0;
	_ =	sdelay $0x1  }
0x38: {  	v4 =	vadd.s32 v1, v4;
	_ =	sdelay $0x4  }
0x39: {  	[tilespmem:s31], [sflag:$0x2] =	stream.indirect_vreg.gather [hbm4b:s2+s3], $0x80, v4, vm0, $0xb8;
	[tilespmem:$0x10200] =	vst v63  }
0x3a: {  	v3 =	vperm.xlane v3, v2  }
0x3b: {  	[tilespmem:s15], [sflag:$0x2] =	stream.indirect_vreg.gather [hbm4b:s5+s3], $0x80, v4, vm0, $0xb8;
	[tilespmem:$0x10200] =	vst v63  }
0x3c: {  	v3 =	vadd.s32 v1, v3  }
0x3d: {  	[tilespmem:s16], [sflag:$0x2] =	stream.indirect_vreg.gather [hbm4b:s6+s3], $0x80, v4, vm0, $0xb8;
	[tilespmem:$0x10200] =	vst v63  }
0x3e: {  	_ = 	snop  }
0x3f: {  	[tilespmem:s17], [sflag:$0x2] =	stream.indirect_vreg.gather [hbm4b:s7+s3], $0x80, v4, vm0, $0xb8;
	[tilespmem:$0x10200] =	vst v63  }
0x40: {  	_ = 	snop  }
0x41: {  	[tilespmem:s18], [sflag:$0x2] =	stream.indirect_vreg.gather [hbm4b:s2+s3], $0x80, v3, vm0, $0xb8;
	[tilespmem:$0x10200] =	vst v63  }
0x42: {  	_ = 	snop  }
0x43: {  	[tilespmem:s14], [sflag:$0x2] =	stream.indirect_vreg.gather [hbm4b:s5+s3], $0x80, v3, vm0, $0xb8;
	[tilespmem:$0x10200] =	vst v63  }
0x44: {  	_ = 	snop  }
0x45: {  	[tilespmem:s20], [sflag:$0x2] =	stream.indirect_vreg.gather [hbm4b:s6+s3], $0x80, v3, vm0, $0xb8;
	[tilespmem:$0x10200] =	vst v63  }
0x46: {  	s10 =	simm.s32 $0x7A00  }
0x47: {  	[tilespmem:s10], [sflag:$0x2] =	stream.indirect_vreg.gather [hbm4b:s7+s3], $0x80, v3, vm0, $0xb8;
	[tilespmem:$0x10200] =	vst v63  }
0x48: {  	v3 =	vld [tilespmem:$0x20];
	_ =	sdelay $0x4  }
0x49: {  	v62 =	vshll.u32 v3, $0x3  }
0x4a: {  	v3 =	vand.u32 $0x7, v3;
	v4 =	vand.u32 $0xFFFFFFC0, v62  }
0x4b: {  	v3 =	vor.u32 v3, v4  }
0x4c: {  	v4 =	vperm.xlane v3, v0;
	_ =	sdelay $0x1  }
0x4d: {  	v4 =	vadd.s32 v1, v4;
	_ =	sdelay $0x4  }
0x4e: {  	[tilespmem:s11], [sflag:$0x3] =	stream.indirect_vreg.gather [hbm4b:s2+s3], $0x80, v4, vm0, $0xb8;
	[tilespmem:$0x10200] =	vst v63  }
0x4f: {  	v3 =	vperm.xlane v3, v2;
	s11 =	simm.s32 $0x8A00  }
0x50: {  	[tilespmem:s11], [sflag:$0x3] =	stream.indirect_vreg.gather [hbm4b:s5+s3], $0x80, v4, vm0, $0xb8;
	[tilespmem:$0x10200] =	vst v63  }
0x51: {  	s13 =	simm.s32 $0x9200;
	v3 =	vadd.s32 v1, v3  }
0x52: {  	[tilespmem:s13], [sflag:$0x3] =	stream.indirect_vreg.gather [hbm4b:s6+s3], $0x80, v4, vm0, $0xb8;
	[tilespmem:$0x10200] =	vst v63  }
0x53: {  	s14 =	simm.s32 $0x9A00  }
0x54: {  	[tilespmem:s14], [sflag:$0x3] =	stream.indirect_vreg.gather [hbm4b:s7+s3], $0x80, v4, vm0, $0xb8;
	[tilespmem:$0x10200] =	vst v63  }
0x55: {  	s15 =	simm.s32 $0xA200  }
0x56: {  	[tilespmem:s15], [sflag:$0x3] =	stream.indirect_vreg.gather [hbm4b:s2+s3], $0x80, v3, vm0, $0xb8;
	[tilespmem:$0x10200] =	vst v63  }
0x57: {  	s16 =	simm.s32 $0xAA00  }
0x58: {  	[tilespmem:s16], [sflag:$0x3] =	stream.indirect_vreg.gather [hbm4b:s5+s3], $0x80, v3, vm0, $0xb8;
	[tilespmem:$0x10200] =	vst v63  }
0x59: {  	s17 =	simm.s32 $0xB200  }
0x5a: {  	[tilespmem:s17], [sflag:$0x3] =	stream.indirect_vreg.gather [hbm4b:s6+s3], $0x80, v3, vm0, $0xb8;
	[tilespmem:$0x10200] =	vst v63  }
0x5b: {  	s18 =	simm.s32 $0xBA00  }
0x5c: {  	[tilespmem:s18], [sflag:$0x3] =	stream.indirect_vreg.gather [hbm4b:s7+s3], $0x80, v3, vm0, $0xb8;
	[tilespmem:$0x10200] =	vst v63  }
0x5d: {  	v3 =	vld [tilespmem:$0x30];
	_ =	sdelay $0x4  }
0x5e: {  	v63 =	vshll.u32 v3, $0x3  }
0x5f: {  	v3 =	vand.u32 $0x7, v3;
	v4 =	vand.u32 $0xFFFFFFC0, v63  }
0x60: {  	v3 =	vor.u32 v3, v4  }
0x61: {  	v4 =	vperm.xlane v3, v0;
	_ =	sdelay $0x1  }
0x62: {  	v4 =	vadd.s32 v1, v4;
	_ =	sdelay $0x4  }
0x63: {  	[tilespmem:s12], [sflag:$0x4] =	stream.indirect_vreg.gather [hbm4b:s2+s3], $0x80, v4, vm0, $0xb8;
	[tilespmem:$0x10200] =	vst v63  }
0x64: {  	s19 =	simm.s32 $0xCA00;
	v3 =	vperm.xlane v3, v2  }
0x65: {  	[tilespmem:s19], [sflag:$0x4] =	stream.indirect_vreg.gather [hbm4b:s5+s3], $0x80, v4, vm0, $0xb8;
	[tilespmem:$0x10200] =	vst v63  }
0x66: {  	s20 =	simm.s32 $0xD200;
	v3 =	vadd.s32 v1, v3  }
0x67: {  	[tilespmem:s20], [sflag:$0x4] =	stream.indirect_vreg.gather [hbm4b:s6+s3], $0x80, v4, vm0, $0xb8;
	[tilespmem:$0x10200] =	vst v63  }
0x68: {  	s22 =	simm.s32 $0xDA00  }
0x69: {  	[tilespmem:s22], [sflag:$0x4] =	stream.indirect_vreg.gather [hbm4b:s7+s3], $0x80, v4, vm0, $0xb8;
	[tilespmem:$0x10200] =	vst v63  }
0x6a: {  	s0 =	simm.s32 $0x0;
	s1 =	simm.s32 $0x70;
	s31 =	simm.s32 $0xE200  }
0x6b: {  	[tilespmem:s31], [sflag:$0x4] =	stream.indirect_vreg.gather [hbm4b:s2+s3], $0x80, v3, vm0, $0xb8;
	[tilespmem:$0x10200] =	vst v63  }
0x6c: {  	s9 =	simm.s32 $0xFA00;
	s10 =	simm.s32 $0x1A00;
	s15 =	simm.s32 $0xEA00  }
0x6d: {  	[tilespmem:s15], [sflag:$0x4] =	stream.indirect_vreg.gather [hbm4b:s5+s3], $0x80, v3, vm0, $0xb8;
	[tilespmem:$0x10200] =	vst v63  }
0x6e: {  	s13 =	simm.s32 $0x2A00;
	s16 =	simm.s32 $0x3A00;
	s19 =	simm.s32 $0xF200  }
0x6f: {  	[tilespmem:s19], [sflag:$0x4] =	stream.indirect_vreg.gather [hbm4b:s6+s3], $0x80, v3, vm0, $0xb8;
	[tilespmem:$0x10200] =	vst v63  }
0x70: {  	s17 =	simm.s32 $0x7200;
	s18 =	simm.s32 $0x5200;
	s20 =	simm.s32 $0x6200  }
0x71: {  	[tilespmem:s9], [sflag:$0x4] =	stream.indirect_vreg.gather [hbm4b:s7+s3], $0x80, v3, vm0, $0xb8;
	[tilespmem:$0x10200] =	vst v63  }
.LBB2_2:
0x72: {  	_ =	swait.ge [sflag:s21], $0x4000  }
0x73: {  	s4 =	rddreg [dreg:$0x4];
	[sflag:s21] =	ssyncset.done $0x0  }
0x74: {  	s31 =	simm.s32 $0x200;
	[sflag:s21] =	ssyncadd.s32 $0xFFFFC000;
	s4 =	sadd.s32 s0, s4  }
0x75: {  	[hbm4b:s4+s3] =	stream.linear.scatter [tilespmem:s31], [sflag:$0x5], $0x4000, $0x38;
	[tilespmem:$0x10200] =	vst v63  }
0x76: {  	_ =	swait.ge [sflag:s23], $0x4000  }
0x77: {  	[sflag:s23] =	ssyncset.done $0x0  }
0x78: {  	[sflag:s23] =	ssyncadd.s32 $0xFFFFC000  }
0x79: {  	v3 =	vld [tilespmem:s1+$0xFFFFFFD0];
	_ =	sdelay $0x4  }
0x7a: {  	v4 =	vshll.u32 v3, $0x3  }
0x7b: {  	v3 =	vand.u32 $0x7, v3;
	v4 =	vand.u32 $0xFFFFFFC0, v4  }
0x7c: {  	v3 =	vor.u32 v3, v4  }
0x7d: {  	v4 =	vperm.xlane v3, v0;
	_ =	sdelay $0x1  }
0x7e: {  	v4 =	vadd.s32 v1, v4;
	_ =	sdelay $0x4  }
0x7f: {  	[tilespmem:s31], [sflag:$0x1] =	stream.indirect_vreg.gather [hbm4b:s2+s3], $0x80, v4, vm0, $0xb8;
	[tilespmem:$0x10200] =	vst v63  }
0x80: {  	v3 =	vperm.xlane v3, v2  }
0x81: {  	[tilespmem:s8], [sflag:$0x1] =	stream.indirect_vreg.gather [hbm4b:s5+s3], $0x80, v4, vm0, $0xb8;
	[tilespmem:$0x10200] =	vst v63  }
0x82: {  	s11 =	simm.s32 $0x1200;
	v3 =	vadd.s32 v1, v3  }
0x83: {  	[tilespmem:s11], [sflag:$0x1] =	stream.indirect_vreg.gather [hbm4b:s6+s3], $0x80, v4, vm0, $0xb8;
	[tilespmem:$0x10200] =	vst v63  }
0x84: {  	_ = 	snop  }
0x85: {  	[tilespmem:s10], [sflag:$0x1] =	stream.indirect_vreg.gather [hbm4b:s7+s3], $0x80, v4, vm0, $0xb8;
	[tilespmem:$0x10200] =	vst v63  }
0x86: {  	s14 =	simm.s32 $0x2200  }
0x87: {  	[tilespmem:s14], [sflag:$0x1] =	stream.indirect_vreg.gather [hbm4b:s2+s3], $0x80, v3, vm0, $0xb8;
	[tilespmem:$0x10200] =	vst v63  }
0x88: {  	_ = 	snop  }
0x89: {  	[tilespmem:s13], [sflag:$0x1] =	stream.indirect_vreg.gather [hbm4b:s5+s3], $0x80, v3, vm0, $0xb8;
	[tilespmem:$0x10200] =	vst v63  }
0x8a: {  	s11 =	simm.s32 $0x3200  }
0x8b: {  	[tilespmem:s11], [sflag:$0x1] =	stream.indirect_vreg.gather [hbm4b:s6+s3], $0x80, v3, vm0, $0xb8;
	[tilespmem:$0x10200] =	vst v63  }
0x8c: {  	_ = 	snop  }
0x8d: {  	[tilespmem:s16], [sflag:$0x1] =	stream.indirect_vreg.gather [hbm4b:s7+s3], $0x80, v3, vm0, $0xb8;
	[tilespmem:$0x10200] =	vst v63  }
0x8e: {  	_ =	swait.ge [sflag:s24], $0x4000  }
0x8f: {  	[sflag:s24] =	ssyncset.done $0x0  }
0x90: {  	s14 =	sadd.s32 $0x800, s4;
	s11 =	simm.s32 $0x4200;
	[sflag:s24] =	ssyncadd.s32 $0xFFFFC000  }
0x91: {  	[hbm4b:s14+s3] =	stream.linear.scatter [tilespmem:s11], [sflag:$0x6], $0x4000, $0x38;
	[tilespmem:$0x10200] =	vst v63  }
0x92: {  	_ =	swait.ge [sflag:s25], $0x4000  }
0x93: {  	[sflag:s25] =	ssyncset.done $0x0  }
0x94: {  	[sflag:s25] =	ssyncadd.s32 $0xFFFFC000  }
0x95: {  	v3 =	vld [tilespmem:s1+$0xFFFFFFE0];
	_ =	sdelay $0x4  }
0x96: {  	v61 =	vshll.u32 v3, $0x3  }
0x97: {  	v3 =	vand.u32 $0x7, v3;
	v4 =	vand.u32 $0xFFFFFFC0, v61  }
0x98: {  	v3 =	vor.u32 v3, v4  }
0x99: {  	v4 =	vperm.xlane v3, v0;
	_ =	sdelay $0x1  }
0x9a: {  	v4 =	vadd.s32 v1, v4;
	_ =	sdelay $0x4  }
0x9b: {  	[tilespmem:s11], [sflag:$0x2] =	stream.indirect_vreg.gather [hbm4b:s2+s3], $0x80, v4, vm0, $0xb8;
	[tilespmem:$0x10200] =	vst v63  }
0x9c: {  	v3 =	vperm.xlane v3, v2;
	s11 =	simm.s32 $0x4A00  }
0x9d: {  	[tilespmem:s11], [sflag:$0x2] =	stream.indirect_vreg.gather [hbm4b:s5+s3], $0x80, v4, vm0, $0xb8;
	[tilespmem:$0x10200] =	vst v63  }
0x9e: {  	v3 =	vadd.s32 v1, v3  }
0x9f: {  	[tilespmem:s18], [sflag:$0x2] =	stream.indirect_vreg.gather [hbm4b:s6+s3], $0x80, v4, vm0, $0xb8;
	[tilespmem:$0x10200] =	vst v63  }
0xa0: {  	s14 =	simm.s32 $0x5A00  }
0xa1: {  	[tilespmem:s14], [sflag:$0x2] =	stream.indirect_vreg.gather [hbm4b:s7+s3], $0x80, v4, vm0, $0xb8;
	[tilespmem:$0x10200] =	vst v63  }
0xa2: {  	_ = 	snop  }
0xa3: {  	[tilespmem:s20], [sflag:$0x2] =	stream.indirect_vreg.gather [hbm4b:s2+s3], $0x80, v3, vm0, $0xb8;
	[tilespmem:$0x10200] =	vst v63  }
0xa4: {  	s11 =	simm.s32 $0x6A00  }
0xa5: {  	[tilespmem:s11], [sflag:$0x2] =	stream.indirect_vreg.gather [hbm4b:s5+s3], $0x80, v3, vm0, $0xb8;
	[tilespmem:$0x10200] =	vst v63  }
0xa6: {  	_ = 	snop  }
0xa7: {  	[tilespmem:s17], [sflag:$0x2] =	stream.indirect_vreg.gather [hbm4b:s6+s3], $0x80, v3, vm0, $0xb8;
	[tilespmem:$0x10200] =	vst v63  }
0xa8: {  	s14 =	simm.s32 $0x7A00  }
0xa9: {  	[tilespmem:s14], [sflag:$0x2] =	stream.indirect_vreg.gather [hbm4b:s7+s3], $0x80, v3, vm0, $0xb8;
	[tilespmem:$0x10200] =	vst v63  }
0xaa: {  	_ =	swait.ge [sflag:s26], $0x4000  }
0xab: {  	[sflag:s26] =	ssyncset.done $0x0  }
0xac: {  	s11 =	sadd.s32 $0x1000, s4;
	s14 =	simm.s32 $0x8200;
	[sflag:s26] =	ssyncadd.s32 $0xFFFFC000  }
0xad: {  	[hbm4b:s11+s3] =	stream.linear.scatter [tilespmem:s14], [sflag:$0x7], $0x4000, $0x38;
	[tilespmem:$0x10200] =	vst v63  }
0xae: {  	_ =	swait.ge [sflag:s28], $0x4000  }
0xaf: {  	[sflag:s28] =	ssyncset.done $0x0  }
0xb0: {  	[sflag:s28] =	ssyncadd.s32 $0xFFFFC000  }
0xb1: {  	v3 =	vld [tilespmem:s1+$0xFFFFFFF0];
	_ =	sdelay $0x4  }
0xb2: {  	v62 =	vshll.u32 v3, $0x3  }
0xb3: {  	v3 =	vand.u32 $0x7, v3;
	v4 =	vand.u32 $0xFFFFFFC0, v62  }
0xb4: {  	v3 =	vor.u32 v3, v4  }
0xb5: {  	v4 =	vperm.xlane v3, v0;
	_ =	sdelay $0x1  }
0xb6: {  	v4 =	vadd.s32 v1, v4;
	_ =	sdelay $0x4  }
0xb7: {  	[tilespmem:s14], [sflag:$0x3] =	stream.indirect_vreg.gather [hbm4b:s2+s3], $0x80, v4, vm0, $0xb8;
	[tilespmem:$0x10200] =	vst v63  }
0xb8: {  	v3 =	vperm.xlane v3, v2;
	s14 =	simm.s32 $0x8A00  }
0xb9: {  	[tilespmem:s14], [sflag:$0x3] =	stream.indirect_vreg.gather [hbm4b:s5+s3], $0x80, v4, vm0, $0xb8;
	[tilespmem:$0x10200] =	vst v63  }
0xba: {  	v3 =	vadd.s32 v1, v3;
	s14 =	simm.s32 $0x9200  }
0xbb: {  	[tilespmem:s14], [sflag:$0x3] =	stream.indirect_vreg.gather [hbm4b:s6+s3], $0x80, v4, vm0, $0xb8;
	[tilespmem:$0x10200] =	vst v63  }
0xbc: {  	s14 =	simm.s32 $0x9A00  }
0xbd: {  	[tilespmem:s14], [sflag:$0x3] =	stream.indirect_vreg.gather [hbm4b:s7+s3], $0x80, v4, vm0, $0xb8;
	[tilespmem:$0x10200] =	vst v63  }
0xbe: {  	s14 =	simm.s32 $0xA200  }
0xbf: {  	[tilespmem:s14], [sflag:$0x3] =	stream.indirect_vreg.gather [hbm4b:s2+s3], $0x80, v3, vm0, $0xb8;
	[tilespmem:$0x10200] =	vst v63  }
0xc0: {  	s14 =	simm.s32 $0xAA00  }
0xc1: {  	[tilespmem:s14], [sflag:$0x3] =	stream.indirect_vreg.gather [hbm4b:s5+s3], $0x80, v3, vm0, $0xb8;
	[tilespmem:$0x10200] =	vst v63  }
0xc2: {  	s14 =	simm.s32 $0xB200  }
0xc3: {  	[tilespmem:s14], [sflag:$0x3] =	stream.indirect_vreg.gather [hbm4b:s6+s3], $0x80, v3, vm0, $0xb8;
	[tilespmem:$0x10200] =	vst v63  }
0xc4: {  	s14 =	simm.s32 $0xBA00  }
0xc5: {  	[tilespmem:s14], [sflag:$0x3] =	stream.indirect_vreg.gather [hbm4b:s7+s3], $0x80, v3, vm0, $0xb8;
	[tilespmem:$0x10200] =	vst v63  }
0xc6: {  	_ =	swait.ge [sflag:s29], $0x4000  }
0xc7: {  	[sflag:s29] =	ssyncset.done $0x0  }
0xc8: {  	s4 =	sadd.s32 $0x1800, s4;
	[sflag:s29] =	ssyncadd.s32 $0xFFFFC000  }
0xc9: {  	[hbm4b:s4+s3] =	stream.linear.scatter [tilespmem:s12], [sflag:$0x8], $0x4000, $0x38;
	[tilespmem:$0x10200] =	vst v63  }
0xca: {  	_ =	swait.ge [sflag:s30], $0x4000  }
0xcb: {  	[sflag:s30] =	ssyncset.done $0x0  }
0xcc: {  	[sflag:s30] =	ssyncadd.s32 $0xFFFFC000  }
0xcd: {  	v3 =	vld [tilespmem:s1+$0x0];
	_ =	sdelay $0x4  }
0xce: {  	v63 =	vshll.u32 v3, $0x3  }
0xcf: {  	v3 =	vand.u32 $0x7, v3;
	v4 =	vand.u32 $0xFFFFFFC0, v63  }
0xd0: {  	v3 =	vor.u32 v3, v4  }
0xd1: {  	v4 =	vperm.xlane v3, v0;
	_ =	sdelay $0x1  }
0xd2: {  	v4 =	vadd.s32 v1, v4;
	_ =	sdelay $0x4  }
0xd3: {  	[tilespmem:s12], [sflag:$0x4] =	stream.indirect_vreg.gather [hbm4b:s2+s3], $0x80, v4, vm0, $0xb8;
	[tilespmem:$0x10200] =	vst v63  }
0xd4: {  	s14 =	simm.s32 $0xCA00;
	v3 =	vperm.xlane v3, v2  }
0xd5: {  	[tilespmem:s14], [sflag:$0x4] =	stream.indirect_vreg.gather [hbm4b:s5+s3], $0x80, v4, vm0, $0xb8;
	[tilespmem:$0x10200] =	vst v63  }
0xd6: {  	v3 =	vadd.s32 v1, v3;
	s14 =	simm.s32 $0xD200  }
0xd7: {  	[tilespmem:s14], [sflag:$0x4] =	stream.indirect_vreg.gather [hbm4b:s6+s3], $0x80, v4, vm0, $0xb8;
	[tilespmem:$0x10200] =	vst v63  }
0xd8: {  	s14 =	simm.s32 $0xDA00  }
0xd9: {  	[tilespmem:s14], [sflag:$0x4] =	stream.indirect_vreg.gather [hbm4b:s7+s3], $0x80, v4, vm0, $0xb8;
	[tilespmem:$0x10200] =	vst v63  }
0xda: {  	s14 =	simm.s32 $0xE200  }
0xdb: {  	[tilespmem:s14], [sflag:$0x4] =	stream.indirect_vreg.gather [hbm4b:s2+s3], $0x80, v3, vm0, $0xb8;
	[tilespmem:$0x10200] =	vst v63  }
0xdc: {  	p0 =	sne.s32 s0, $0xC000  }
0xdd: {  	[tilespmem:s15], [sflag:$0x4] =	stream.indirect_vreg.gather [hbm4b:s5+s3], $0x80, v3, vm0, $0xb8;
	[tilespmem:$0x10200] =	vst v63  }
.Ltmp0:
0xde: {  	_ = 	snop;
	(pc) =	sbr.rel @p0 .LBB2_2-.Ltmp0, $4  }
0xdf: {  	s22 =	simm.s32 $0x200;
	s0 =	sadd.s32 $0x2000, s0;
	s31 =	simm.s32 $0x4200  }
0xe0: {  	[tilespmem:s19], [sflag:$0x4] =	stream.indirect_vreg.gather [hbm4b:s6+s3], $0x80, v3, vm0, $0xb8;
	[tilespmem:$0x10200] =	vst v63  }
0xe1: {  	s8 =	simm.s32 $0xA00;
	s11 =	simm.s32 $0x8200;
	s1 =	sadd.s32 $0x40, s1  }
0xe2: {  	[tilespmem:s9], [sflag:$0x4] =	stream.indirect_vreg.gather [hbm4b:s7+s3], $0x80, v3, vm0, $0xb8;
	[tilespmem:$0x10200] =	vst v63  }
0xe3: {  	_ =	swait.ge [sflag:s21], $0x4000  }
0xe4: {  	[sflag:s21] =	ssyncset.done $0x0  }
0xe5: {  	s0 =	rddreg [dreg:$0x6];
	[sflag:s21] =	ssyncadd.s32 $0xFFFFC000  }
0xe6: {  	[hbm4b:s0+s3] =	stream.linear.scatter [tilespmem:s22], [sflag:$0x5], $0x4000, $0x38;
	[tilespmem:$0x10200] =	vst v63  }
0xe7: {  	_ =	swait.ge [sflag:s24], $0x4000  }
0xe8: {  	[sflag:s24] =	ssyncset.done $0x0  }
0xe9: {  	s17 =	rddreg [dreg:$0x7];
	[sflag:s24] =	ssyncadd.s32 $0xFFFFC000  }
0xea: {  	[hbm4b:s17+s3] =	stream.linear.scatter [tilespmem:s31], [sflag:$0x6], $0x4000, $0x38;
	[tilespmem:$0x10200] =	vst v63  }
0xeb: {  	_ =	swait.ge [sflag:s26], $0x4000  }
0xec: {  	[sflag:s26] =	ssyncset.done $0x0  }
0xed: {  	s18 =	rddreg [dreg:$0x8];
	[sflag:s26] =	ssyncadd.s32 $0xFFFFC000  }
0xee: {  	[hbm4b:s18+s3] =	stream.linear.scatter [tilespmem:s11], [sflag:$0x7], $0x4000, $0x38;
	[tilespmem:$0x10200] =	vst v63  }
0xef: {  	_ =	swait.ge [sflag:s29], $0x4000  }
0xf0: {  	[sflag:s29] =	ssyncset.done $0x0  }
0xf1: {  	s19 =	rddreg [dreg:$0x9];
	[sflag:s29] =	ssyncadd.s32 $0xFFFFC000  }
0xf2: {  	[hbm4b:s19+s3] =	stream.linear.scatter [tilespmem:s12], [sflag:$0x8], $0x4000, $0x38;
	[tilespmem:$0x10200] =	vst v63  }
0xf3: {  	_ =	swait.ge [sflag:s23], $0x4000  }
0xf4: {  	[sflag:s23] =	ssyncset.done $0x0  }
0xf5: {  	[sflag:s23] =	ssyncadd.s32 $0xFFFFC000  }
0xf6: {  	_ =	swait.ge [sflag:s25], $0x4000  }
0xf7: {  	[sflag:s25] =	ssyncset.done $0x0  }
0xf8: {  	[sflag:s25] =	ssyncadd.s32 $0xFFFFC000  }
0xf9: {  	_ =	swait.ge [sflag:s28], $0x4000  }
0xfa: {  	[sflag:s28] =	ssyncset.done $0x0  }
0xfb: {  	[sflag:s28] =	ssyncadd.s32 $0xFFFFC000  }
0xfc: {  	_ =	swait.ge [sflag:s30], $0x4000  }
0xfd: {  	s1 =	rddreg [dreg:$0xb]  }
0xfe: {  	s20 =	rddreg [dreg:$0xa];
	s1 =	sadd.s32 $0x1, s1  }
0xff: {  	s4 =	simm.s32 $0x1A00;
	p0 =	sne.s32 s1, s20  }
.Ltmp1:
0x100: {  	s9 =	simm.s32 $0x2200;
	s10 =	simm.s32 $0x2A00;
	(pc) =	sbr.rel @p0 .LBB2_1-.Ltmp1, $4  }
0x101: {  	s13 =	simm.s32 $0x3A00;
	s15 =	simm.s32 $0x4A00;
	s16 =	simm.s32 $0x5200  }
0x102: {  	s14 =	simm.s32 $0x6A00;
	s17 =	simm.s32 $0x5A00;
	[sflag:s30] =	ssyncset.done $0x0  }
0x103: {  	s18 =	simm.s32 $0x6200;
	s19 =	simm.s32 $0x3200;
	[sflag:s30] =	ssyncadd.s32 $0xFFFFC000  }
0x104: {  	[dreg:$0xb] =	wrdreg s1;
	s1 =	simm.s32 $0x1200;
	s20 =	simm.s32 $0x7200  }
0x105: {  	_ =	sfence.sel $0x180000  }
0x106: {  	[bflag:$0x0] =	sbarrier.arrive $0xFFFF  }
0x107: {  	_ =	strace $0x90000047  }
0x108: {  	s0 =	stileid.u32;
	[bflag:$0x2] =	sbarrier.arrive $0xFFFF  }
0x109: {  	p0 =	sne.s32 s0, $0x0;
	s0 =	rddreg [dreg:$0x3]  }
0x10a: {  	s0 =	sadd.s32 @!p0 $0x100000, s0  }
0x10b: {  	[sflag:s0] =	ssyncadd.tile.s32 @!p0 $0x1;
	_ =	shalt  }
.Lfunc_end2:
_tile_overlayer_lowered:
.L_overlay_start_2:
0x10c: {  	(tag) =	ssettag $0x2  }
0x10d: {  	s0 =	rddreg [dreg:$0x0];
	s2 =	stileid.u32  }
0x10e: {  	s1 =	rddreg [dreg:$0x1];
	p0 =	sne.s32 s2, $0x0  }
0x10f: {  	s3 =	rddreg [dreg:$0x2];
	[bflag:$0x3] =	sbarrier.arrive $0xFFFF;
	s2 =	simm.s32 @!p0 $0x1C09  }
0x110: {  	[timem:s3], [sflag:s2] =	dma.local @!p0 [hbm:s0], s1  }
0x111: {  	s0 =	simm.s32 @!p0 $0x9  }
0x112: {  	_ =	swait.ge @!p0 [sflag:s0], s1  }
0x113: {  	s1 =	ssub.s32 @!p0 $0x0, s1;
	[sflag:s0] =	ssyncset.done @!p0 $0x0  }
0x114: {  	[sflag:s0] =	ssyncadd.s32 @!p0 s1  }
0x115: {  	[bflag:$0x3] =	sbarrier.arrive $0xFFFF  }
0x116: {  	_ =	shalt  }

</sc_bundles>
